<compile_context>
chip_gen: v7x
topology: tpu7x:2x2x1
jax: 0.10.2.dev20260603
libtpu: 0.0.44.dev20260713+nightly
codegen_flags: <defaults>
</compile_context>

<pallas_src>
import functools

import jax
import jax.numpy as jnp
from jax import lax
from jax.experimental import pallas as pl
from jax.experimental.pallas import tpu as pltpu
from jax.experimental.pallas import tpu_sc as plsc

DIM = 128
NUM_CORES = 2
NUM_SUBCORES = 16
NUM_WORKERS = NUM_CORES * NUM_SUBCORES
LANES = 16


def _emb_body(batch, seq_len, ids_hbm, word_hbm, pos_hbm, out_hbm,
              idx_v, pidx_v, rows_v, pos_sh,
              sem_idx, sem_pos, sem_gat, sem_add, sem_out):
    span = seq_len // NUM_WORKERS
    cid = lax.axis_index("c")
    sid = lax.axis_index("s")
    wid = sid * NUM_CORES + cid
    s0 = wid * span
    sh_base = sid * span
    ch = span // 2
    pos_cp = pltpu.async_copy(pos_hbm.at[pl.ds(s0, span)],
                              pos_sh.at[pl.ds(sh_base, span)], sem_pos)
    idx_cps = [
        pltpu.async_copy(ids_hbm.at[b, pl.ds(s0, span)], idx_v.at[b],
                         sem_idx.at[b])
        for b in range(batch)
    ]
    for k in range(span // LANES):
        pidx_v[pl.ds(k * LANES, LANES)] = (
            lax.iota(jnp.int32, LANES) + (sh_base + k * LANES))
    chunks = [(b, k) for b in range(batch) for k in range(span // ch)]
    for cp in idx_cps:
        cp.wait()
    gat_cps = []
    for i, (b, k) in enumerate(chunks):
        gat_cps.append(pltpu.async_copy(
            word_hbm.at[idx_v.at[b, pl.ds(k * ch, ch)]],
            rows_v.at[pl.ds(b * span + k * ch, ch)], sem_gat.at[i]))
    pos_cp.wait()
    add_cps = []
    for i, (b, k) in enumerate(chunks):
        gat_cps[i].wait()
        add_cps.append(pltpu.async_copy(
            pos_sh.at[pidx_v.at[pl.ds(k * ch, ch)]],
            rows_v.at[pl.ds(b * span + k * ch, ch)], sem_add.at[i], add=True))
    out_cps = []
    for i, (b, k) in enumerate(chunks):
        add_cps[i].wait()
        out_cps.append(pltpu.async_copy(
            rows_v.at[pl.ds(b * span + k * ch, ch)],
            out_hbm.at[pl.ds(b * seq_len + s0 + k * ch, ch)], sem_out.at[i]))
    for cp in out_cps:
        cp.wait()


def kernel(input_ids, word_embeddings, position_embeddings):
    batch, seq_len = input_ids.shape
    span = seq_len // NUM_WORKERS
    mesh = plsc.VectorSubcoreMesh(core_axis_name="c", subcore_axis_name="s")
    body = functools.partial(_emb_body, batch, seq_len)
    out = pl.kernel(
        body,
        mesh=mesh,
        out_type=jax.ShapeDtypeStruct((batch * seq_len, DIM), jnp.float32),
        scratch_types=[
            pltpu.VMEM((batch, span), jnp.int32),
            pltpu.VMEM((span,), jnp.int32),
            pltpu.VMEM((batch * span, DIM), jnp.float32),
            pltpu.VMEM_SHARED((NUM_SUBCORES * span, DIM), jnp.float32),
            pltpu.SemaphoreType.DMA((batch,)),
            pltpu.SemaphoreType.DMA,
            pltpu.SemaphoreType.DMA((2 * batch,)),
            pltpu.SemaphoreType.DMA((2 * batch,)),
            pltpu.SemaphoreType.DMA((2 * batch,)),
        ],
    )(input_ids, word_embeddings, position_embeddings)
    return out.reshape(batch, seq_len, DIM)

# --- scband reference (transcript-rebuilt; emitter-appended) ---
"""Pipeline reference for scband-embeddings-395136991250 (READ-ONLY COPY).

The authoritative reference and input builder live on the scoring server;
editing this copy changes nothing except your own understanding.
"""

import jax, jax.numpy as jnp
import numpy as np

VOCAB = 1000000
MAX_SEQ = 2048
DIM = 128
B, S = 4, 2048

def setup_inputs(seed: int = 0) -> dict:
    key = jax.random.key(seed)
    k1, k2, k3 = jax.random.split(key, 3)
    input_ids = jax.random.randint(k1, (B, S), 0, VOCAB, dtype=jnp.int64 if jax.config.jax_enable_x64 else jnp.int32)
    word_embeddings = jax.random.normal(k2, (VOCAB, DIM), dtype=jnp.float32) * 0.02
    position_embeddings = jax.random.normal(k3, (MAX_SEQ, DIM), dtype=jnp.float32) * 0.02
    return {"input_ids": input_ids, "word_embeddings": word_embeddings, "position_embeddings": position_embeddings}

def reference(input_ids, word_embeddings, position_embeddings):
    batch_size, seq_len = input_ids.shape
    # word embedding gather
    X_token = jnp.take(word_embeddings, input_ids, axis=0)
    # position ids: arange(seq_len) broadcast to batch
    position_ids = jnp.arange(seq_len, dtype=input_ids.dtype)[None, :]
    X_pos = jnp.take(position_embeddings, position_ids, axis=0)  # [1, S, D]
    X = X_token + X_pos  # broadcasts over batch
    # dropout_prob = 0.0 -> identity
    return X

if __name__ == "__main__":
    import jax
    _d = setup_inputs()
    print(jax.jit(kernel)(*tuple(_d.values())))

</pallas_src>

<mosaic_0001>
#map = affine_map<(d0, d1) -> (0, 0)>
module attributes {stable_mosaic.version = 14 : i64} {
  func.func @_emb_body(%arg0: i32, %arg1: i32, %arg2: memref<4x2048xi32, #tpu.memory_space<hbm>>, %arg3: memref<1000000x128xf32, #tpu.memory_space<hbm>>, %arg4: memref<2048x128xf32, #tpu.memory_space<hbm>>, %arg5: memref<8192x128xf32, #tpu.memory_space<hbm>>, %arg6: memref<4x64xi32, #tpu.memory_space<vmem>>, %arg7: memref<64xi32, #tpu.memory_space<vmem>>, %arg8: memref<256x128xf32, #tpu.memory_space<vmem>>, %arg9: memref<1024x128xf32, #tpu.memory_space<vmem_shared>>, %arg10: memref<4x!tpu.dma_semaphore, #tpu.memory_space<semaphore_mem>>, %arg11: memref<!tpu.dma_semaphore, #tpu.memory_space<semaphore_mem>>, %arg12: memref<8x!tpu.dma_semaphore, #tpu.memory_space<semaphore_mem>>, %arg13: memref<8x!tpu.dma_semaphore, #tpu.memory_space<semaphore_mem>>, %arg14: memref<8x!tpu.dma_semaphore, #tpu.memory_space<semaphore_mem>>) attributes {dimension_semantics = [#tpu.dimension_semantics<core_parallel>, #tpu.dimension_semantics<subcore_parallel>], iteration_bounds = array<i64: 2, 16>, scalar_prefetch = 0 : i64, scratch_operands = 9 : i64, tpu.core_type = #tpu.core_type<sc_vector_subcore>, window_params = [{transform_indices = #map}, {transform_indices = #map}, {transform_indices = #map}, {transform_indices = #map}]} {
    %mul3A = arith.constant 2 : i32
    %mul3A_0 = arith.muli %arg1, %mul3A : i32
    %add3A = arith.addi %mul3A_0, %arg0 : i32
    %mul3A_1 = arith.constant 64 : i32
    %mul3A_2 = arith.muli %add3A, %mul3A_1 : i32
    %mul3A_3 = arith.constant 64 : i32
    %mul3A_4 = arith.muli %arg1, %mul3A_3 : i32
    %dma_start3A = arith.constant 0 : i32
    %dma_start3A_5 = tpu.memref_slice %arg9[%mul3A_4, %dma_start3A] : memref<1024x128xf32, #tpu.memory_space<vmem_shared>> -> memref<64x128xf32, #tpu.memory_space<vmem_shared>>
    %dma_start3A_6 = arith.constant 0 : i32
    %dma_start3A_7 = tpu.memref_slice %arg4[%mul3A_2, %dma_start3A_6] : memref<2048x128xf32, #tpu.memory_space<hbm>> -> memref<64x128xf32, #tpu.memory_space<hbm>>
    tpu.enqueue_dma source(%dma_start3A_7 : memref<64x128xf32, #tpu.memory_space<hbm>>) target(%dma_start3A_5 : memref<64x128xf32, #tpu.memory_space<vmem_shared>>) target_semaphore(%arg11 : memref<!tpu.dma_semaphore, #tpu.memory_space<semaphore_mem>>)
    %dma_start3A_8 = arith.constant 0 : i32
    %dma_start3A_9 = arith.constant 0 : i32
    %dma_start3A_10 = arith.constant 0 : i32
    %dma_start3A_11 = arith.constant 0 : i32
    %dma_start3A_12 = tpu.memref_slice %arg6[%dma_start3A_9, %dma_start3A_11] : memref<4x64xi32, #tpu.memory_space<vmem>> -> memref<1x64xi32, #tpu.memory_space<vmem>>
    %dma_start3A_13 = tpu.memref_squeeze %dma_start3A_12 : memref<1x64xi32, #tpu.memory_space<vmem>> -> memref<64xi32, #tpu.memory_space<vmem>>
    %dma_start3A_14 = tpu.memref_slice %arg2[%dma_start3A_8, %mul3A_2] : memref<4x2048xi32, #tpu.memory_space<hbm>> -> memref<1x64xi32, #tpu.memory_space<hbm>>
    %dma_start3A_15 = tpu.memref_squeeze %dma_start3A_14 : memref<1x64xi32, #tpu.memory_space<hbm>> -> memref<64xi32, #tpu.memory_space<hbm>>
    %dma_start3A_16 = tpu.memref_slice %arg10[%dma_start3A_10] : memref<4x!tpu.dma_semaphore, #tpu.memory_space<semaphore_mem>> -> memref<1x!tpu.dma_semaphore, #tpu.memory_space<semaphore_mem>>
    %dma_start3A_17 = tpu.memref_squeeze %dma_start3A_16 : memref<1x!tpu.dma_semaphore, #tpu.memory_space<semaphore_mem>> -> memref<!tpu.dma_semaphore, #tpu.memory_space<semaphore_mem>>
    %dma_start3A_18 = arith.constant 0 : i32
    %dma_start3A_19 = tpu.memref_slice %arg6[%dma_start3A_9, %dma_start3A_18] : memref<4x64xi32, #tpu.memory_space<vmem>> -> memref<1x64xi32, #tpu.memory_space<vmem>>
    %dma_start3A_20 = tpu.memref_squeeze %dma_start3A_19 : memref<1x64xi32, #tpu.memory_space<vmem>> -> memref<64xi32, #tpu.memory_space<vmem>>
    %dma_start3A_21 = tpu.memref_slice %arg2[%dma_start3A_8, %mul3A_2] : memref<4x2048xi32, #tpu.memory_space<hbm>> -> memref<1x64xi32, #tpu.memory_space<hbm>>
    %dma_start3A_22 = tpu.memref_squeeze %dma_start3A_21 : memref<1x64xi32, #tpu.memory_space<hbm>> -> memref<64xi32, #tpu.memory_space<hbm>>
    tpu.enqueue_dma source(%dma_start3A_22 : memref<64xi32, #tpu.memory_space<hbm>>) target(%dma_start3A_20 : memref<64xi32, #tpu.memory_space<vmem>>) target_semaphore(%dma_start3A_17 : memref<!tpu.dma_semaphore, #tpu.memory_space<semaphore_mem>>)
    %dma_start3A_23 = arith.constant 1 : i32
    %dma_start3A_24 = arith.constant 1 : i32
    %dma_start3A_25 = arith.constant 1 : i32
    %dma_start3A_26 = arith.constant 0 : i32
    %dma_start3A_27 = tpu.memref_slice %arg6[%dma_start3A_24, %dma_start3A_26] : memref<4x64xi32, #tpu.memory_space<vmem>> -> memref<1x64xi32, #tpu.memory_space<vmem>>
    %dma_start3A_28 = tpu.memref_squeeze %dma_start3A_27 : memref<1x64xi32, #tpu.memory_space<vmem>> -> memref<64xi32, #tpu.memory_space<vmem>>
    %dma_start3A_29 = tpu.memref_slice %arg2[%dma_start3A_23, %mul3A_2] : memref<4x2048xi32, #tpu.memory_space<hbm>> -> memref<1x64xi32, #tpu.memory_space<hbm>>
    %dma_start3A_30 = tpu.memref_squeeze %dma_start3A_29 : memref<1x64xi32, #tpu.memory_space<hbm>> -> memref<64xi32, #tpu.memory_space<hbm>>
    %dma_start3A_31 = tpu.memref_slice %arg10[%dma_start3A_25] : memref<4x!tpu.dma_semaphore, #tpu.memory_space<semaphore_mem>> -> memref<1x!tpu.dma_semaphore, #tpu.memory_space<semaphore_mem>>
    %dma_start3A_32 = tpu.memref_squeeze %dma_start3A_31 : memref<1x!tpu.dma_semaphore, #tpu.memory_space<semaphore_mem>> -> memref<!tpu.dma_semaphore, #tpu.memory_space<semaphore_mem>>
    %dma_start3A_33 = arith.constant 0 : i32
    %dma_start3A_34 = tpu.memref_slice %arg6[%dma_start3A_24, %dma_start3A_33] : memref<4x64xi32, #tpu.memory_space<vmem>> -> memref<1x64xi32, #tpu.memory_space<vmem>>
    %dma_start3A_35 = tpu.memref_squeeze %dma_start3A_34 : memref<1x64xi32, #tpu.memory_space<vmem>> -> memref<64xi32, #tpu.memory_space<vmem>>
    %dma_start3A_36 = tpu.memref_slice %arg2[%dma_start3A_23, %mul3A_2] : memref<4x2048xi32, #tpu.memory_space<hbm>> -> memref<1x64xi32, #tpu.memory_space<hbm>>
    %dma_start3A_37 = tpu.memref_squeeze %dma_start3A_36 : memref<1x64xi32, #tpu.memory_space<hbm>> -> memref<64xi32, #tpu.memory_space<hbm>>
    tpu.enqueue_dma source(%dma_start3A_37 : memref<64xi32, #tpu.memory_space<hbm>>) target(%dma_start3A_35 : memref<64xi32, #tpu.memory_space<vmem>>) target_semaphore(%dma_start3A_32 : memref<!tpu.dma_semaphore, #tpu.memory_space<semaphore_mem>>)
    %dma_start3A_38 = arith.constant 2 : i32
    %dma_start3A_39 = arith.constant 2 : i32
    %dma_start3A_40 = arith.constant 2 : i32
    %dma_start3A_41 = arith.constant 0 : i32
    %dma_start3A_42 = tpu.memref_slice %arg6[%dma_start3A_39, %dma_start3A_41] : memref<4x64xi32, #tpu.memory_space<vmem>> -> memref<1x64xi32, #tpu.memory_space<vmem>>
    %dma_start3A_43 = tpu.memref_squeeze %dma_start3A_42 : memref<1x64xi32, #tpu.memory_space<vmem>> -> memref<64xi32, #tpu.memory_space<vmem>>
    %dma_start3A_44 = tpu.memref_slice %arg2[%dma_start3A_38, %mul3A_2] : memref<4x2048xi32, #tpu.memory_space<hbm>> -> memref<1x64xi32, #tpu.memory_space<hbm>>
    %dma_start3A_45 = tpu.memref_squeeze %dma_start3A_44 : memref<1x64xi32, #tpu.memory_space<hbm>> -> memref<64xi32, #tpu.memory_space<hbm>>
    %dma_start3A_46 = tpu.memref_slice %arg10[%dma_start3A_40] : memref<4x!tpu.dma_semaphore, #tpu.memory_space<semaphore_mem>> -> memref<1x!tpu.dma_semaphore, #tpu.memory_space<semaphore_mem>>
    %dma_start3A_47 = tpu.memref_squeeze %dma_start3A_46 : memref<1x!tpu.dma_semaphore, #tpu.memory_space<semaphore_mem>> -> memref<!tpu.dma_semaphore, #tpu.memory_space<semaphore_mem>>
    %dma_start3A_48 = arith.constant 0 : i32
    %dma_start3A_49 = tpu.memref_slice %arg6[%dma_start3A_39, %dma_start3A_48] : memref<4x64xi32, #tpu.memory_space<vmem>> -> memref<1x64xi32, #tpu.memory_space<vmem>>
    %dma_start3A_50 = tpu.memref_squeeze %dma_start3A_49 : memref<1x64xi32, #tpu.memory_space<vmem>> -> memref<64xi32, #tpu.memory_space<vmem>>
    %dma_start3A_51 = tpu.memref_slice %arg2[%dma_start3A_38, %mul3A_2] : memref<4x2048xi32, #tpu.memory_space<hbm>> -> memref<1x64xi32, #tpu.memory_space<hbm>>
    %dma_start3A_52 = tpu.memref_squeeze %dma_start3A_51 : memref<1x64xi32, #tpu.memory_space<hbm>> -> memref<64xi32, #tpu.memory_space<hbm>>
    tpu.enqueue_dma source(%dma_start3A_52 : memref<64xi32, #tpu.memory_space<hbm>>) target(%dma_start3A_50 : memref<64xi32, #tpu.memory_space<vmem>>) target_semaphore(%dma_start3A_47 : memref<!tpu.dma_semaphore, #tpu.memory_space<semaphore_mem>>)
    %dma_start3A_53 = arith.constant 3 : i32
    %dma_start3A_54 = arith.constant 3 : i32
    %dma_start3A_55 = arith.constant 3 : i32
    %dma_start3A_56 = arith.constant 0 : i32
    %dma_start3A_57 = tpu.memref_slice %arg6[%dma_start3A_54, %dma_start3A_56] : memref<4x64xi32, #tpu.memory_space<vmem>> -> memref<1x64xi32, #tpu.memory_space<vmem>>
    %dma_start3A_58 = tpu.memref_squeeze %dma_start3A_57 : memref<1x64xi32, #tpu.memory_space<vmem>> -> memref<64xi32, #tpu.memory_space<vmem>>
    %dma_start3A_59 = tpu.memref_slice %arg2[%dma_start3A_53, %mul3A_2] : memref<4x2048xi32, #tpu.memory_space<hbm>> -> memref<1x64xi32, #tpu.memory_space<hbm>>
    %dma_start3A_60 = tpu.memref_squeeze %dma_start3A_59 : memref<1x64xi32, #tpu.memory_space<hbm>> -> memref<64xi32, #tpu.memory_space<hbm>>
    %dma_start3A_61 = tpu.memref_slice %arg10[%dma_start3A_55] : memref<4x!tpu.dma_semaphore, #tpu.memory_space<semaphore_mem>> -> memref<1x!tpu.dma_semaphore, #tpu.memory_space<semaphore_mem>>
    %dma_start3A_62 = tpu.memref_squeeze %dma_start3A_61 : memref<1x!tpu.dma_semaphore, #tpu.memory_space<semaphore_mem>> -> memref<!tpu.dma_semaphore, #tpu.memory_space<semaphore_mem>>
    %dma_start3A_63 = arith.constant 0 : i32
    %dma_start3A_64 = tpu.memref_slice %arg6[%dma_start3A_54, %dma_start3A_63] : memref<4x64xi32, #tpu.memory_space<vmem>> -> memref<1x64xi32, #tpu.memory_space<vmem>>
    %dma_start3A_65 = tpu.memref_squeeze %dma_start3A_64 : memref<1x64xi32, #tpu.memory_space<vmem>> -> memref<64xi32, #tpu.memory_space<vmem>>
    %dma_start3A_66 = tpu.memref_slice %arg2[%dma_start3A_53, %mul3A_2] : memref<4x2048xi32, #tpu.memory_space<hbm>> -> memref<1x64xi32, #tpu.memory_space<hbm>>
    %dma_start3A_67 = tpu.memref_squeeze %dma_start3A_66 : memref<1x64xi32, #tpu.memory_space<hbm>> -> memref<64xi32, #tpu.memory_space<hbm>>
    tpu.enqueue_dma source(%dma_start3A_67 : memref<64xi32, #tpu.memory_space<hbm>>) target(%dma_start3A_65 : memref<64xi32, #tpu.memory_space<vmem>>) target_semaphore(%dma_start3A_62 : memref<!tpu.dma_semaphore, #tpu.memory_space<semaphore_mem>>)
    %iota3A = tpu.iota {dimensions = array<i32: 0>} : vector<16xi32>
    %add3A_68 = arith.constant 0 : i32
    %add3A_69 = arith.addi %mul3A_4, %add3A_68 : i32
    %add3A_70 = vector.broadcast %add3A_69 : i32 to vector<16xi32>
    %add3A_71 = arith.addi %iota3A, %add3A_70 : vector<16xi32>
    %swap3A = arith.constant 0 : index
    %swap3A_72 = tpu.vector_load %arg7[%swap3A] {strides = array<i32>} : memref<64xi32, #tpu.memory_space<vmem>>, vector<16xi32>,
    %swap3A_73 = vector.shape_cast %swap3A_72 : vector<16xi32> to vector<16xi32>
    %swap3A_74 = vector.shape_cast %add3A_71 : vector<16xi32> to vector<16xi32>
    tpu.vector_store %arg7[%swap3A], %swap3A_74 {strides = array<i32>} : memref<64xi32, #tpu.memory_space<vmem>>, vector<16xi32>,
    %iota3A_75 = tpu.iota {dimensions = array<i32: 0>} : vector<16xi32>
    %add3A_76 = arith.constant 16 : i32
    %add3A_77 = arith.addi %mul3A_4, %add3A_76 : i32
    %add3A_78 = vector.broadcast %add3A_77 : i32 to vector<16xi32>
    %add3A_79 = arith.addi %iota3A_75, %add3A_78 : vector<16xi32>
    %swap3A_80 = arith.constant 16 : index
    %swap3A_81 = tpu.vector_load %arg7[%swap3A_80] {strides = array<i32>} : memref<64xi32, #tpu.memory_space<vmem>>, vector<16xi32>,
    %swap3A_82 = vector.shape_cast %swap3A_81 : vector<16xi32> to vector<16xi32>
    %swap3A_83 = vector.shape_cast %add3A_79 : vector<16xi32> to vector<16xi32>
    tpu.vector_store %arg7[%swap3A_80], %swap3A_83 {strides = array<i32>} : memref<64xi32, #tpu.memory_space<vmem>>, vector<16xi32>,
    %iota3A_84 = tpu.iota {dimensions = array<i32: 0>} : vector<16xi32>
    %add3A_85 = arith.constant 32 : i32
    %add3A_86 = arith.addi %mul3A_4, %add3A_85 : i32
    %add3A_87 = vector.broadcast %add3A_86 : i32 to vector<16xi32>
    %add3A_88 = arith.addi %iota3A_84, %add3A_87 : vector<16xi32>
    %swap3A_89 = arith.constant 32 : index
    %swap3A_90 = tpu.vector_load %arg7[%swap3A_89] {strides = array<i32>} : memref<64xi32, #tpu.memory_space<vmem>>, vector<16xi32>,
    %swap3A_91 = vector.shape_cast %swap3A_90 : vector<16xi32> to vector<16xi32>
    %swap3A_92 = vector.shape_cast %add3A_88 : vector<16xi32> to vector<16xi32>
    tpu.vector_store %arg7[%swap3A_89], %swap3A_92 {strides = array<i32>} : memref<64xi32, #tpu.memory_space<vmem>>, vector<16xi32>,
    %iota3A_93 = tpu.iota {dimensions = array<i32: 0>} : vector<16xi32>
    %add3A_94 = arith.constant 48 : i32
    %add3A_95 = arith.addi %mul3A_4, %add3A_94 : i32
    %add3A_96 = vector.broadcast %add3A_95 : i32 to vector<16xi32>
    %add3A_97 = arith.addi %iota3A_93, %add3A_96 : vector<16xi32>
    %swap3A_98 = arith.constant 48 : index
    %swap3A_99 = tpu.vector_load %arg7[%swap3A_98] {strides = array<i32>} : memref<64xi32, #tpu.memory_space<vmem>>, vector<16xi32>,
    %swap3A_100 = vector.shape_cast %swap3A_99 : vector<16xi32> to vector<16xi32>
    %swap3A_101 = vector.shape_cast %add3A_97 : vector<16xi32> to vector<16xi32>
    tpu.vector_store %arg7[%swap3A_98], %swap3A_101 {strides = array<i32>} : memref<64xi32, #tpu.memory_space<vmem>>, vector<16xi32>,
    %dma_wait3A = arith.constant 0 : i32
    %dma_wait3A_102 = arith.constant 0 : i32
    %dma_wait3A_103 = arith.constant 0 : i32
    %dma_wait3A_104 = arith.constant 0 : i32
    %dma_wait3A_105 = tpu.memref_slice %arg6[%dma_wait3A_102, %dma_wait3A_104] : memref<4x64xi32, #tpu.memory_space<vmem>> -> memref<1x64xi32, #tpu.memory_space<vmem>>
    %dma_wait3A_106 = tpu.memref_squeeze %dma_wait3A_105 : memref<1x64xi32, #tpu.memory_space<vmem>> -> memref<64xi32, #tpu.memory_space<vmem>>
    %dma_wait3A_107 = tpu.memref_slice %arg2[%dma_wait3A, %mul3A_2] : memref<4x2048xi32, #tpu.memory_space<hbm>> -> memref<1x64xi32, #tpu.memory_space<hbm>>
    %dma_wait3A_108 = tpu.memref_squeeze %dma_wait3A_107 : memref<1x64xi32, #tpu.memory_space<hbm>> -> memref<64xi32, #tpu.memory_space<hbm>>
    %dma_wait3A_109 = tpu.memref_slice %arg10[%dma_wait3A_103] : memref<4x!tpu.dma_semaphore, #tpu.memory_space<semaphore_mem>> -> memref<1x!tpu.dma_semaphore, #tpu.memory_space<semaphore_mem>>
    %dma_wait3A_110 = tpu.memref_squeeze %dma_wait3A_109 : memref<1x!tpu.dma_semaphore, #tpu.memory_space<semaphore_mem>> -> memref<!tpu.dma_semaphore, #tpu.memory_space<semaphore_mem>>
    %dma_wait3A_111 = arith.constant 0 : i32
    %dma_wait3A_112 = tpu.memref_slice %arg6[%dma_wait3A_102, %dma_wait3A_111] : memref<4x64xi32, #tpu.memory_space<vmem>> -> memref<1x64xi32, #tpu.memory_space<vmem>>
    %dma_wait3A_113 = tpu.memref_squeeze %dma_wait3A_112 : memref<1x64xi32, #tpu.memory_space<vmem>> -> memref<64xi32, #tpu.memory_space<vmem>>
    %dma_wait3A_114 = tpu.memref_slice %arg2[%dma_wait3A, %mul3A_2] : memref<4x2048xi32, #tpu.memory_space<hbm>> -> memref<1x64xi32, #tpu.memory_space<hbm>>
    %dma_wait3A_115 = tpu.memref_squeeze %dma_wait3A_114 : memref<1x64xi32, #tpu.memory_space<hbm>> -> memref<64xi32, #tpu.memory_space<hbm>>
    tpu.wait_dma2 semaphore(%dma_wait3A_110 : memref<!tpu.dma_semaphore, #tpu.memory_space<semaphore_mem>>) src(%dma_wait3A_115 : memref<64xi32, #tpu.memory_space<hbm>>) dst(%dma_wait3A_113 : memref<64xi32, #tpu.memory_space<vmem>>)
    %dma_wait3A_116 = arith.constant 1 : i32
    %dma_wait3A_117 = arith.constant 1 : i32
    %dma_wait3A_118 = arith.constant 1 : i32
    %dma_wait3A_119 = arith.constant 0 : i32
    %dma_wait3A_120 = tpu.memref_slice %arg6[%dma_wait3A_117, %dma_wait3A_119] : memref<4x64xi32, #tpu.memory_space<vmem>> -> memref<1x64xi32, #tpu.memory_space<vmem>>
    %dma_wait3A_121 = tpu.memref_squeeze %dma_wait3A_120 : memref<1x64xi32, #tpu.memory_space<vmem>> -> memref<64xi32, #tpu.memory_space<vmem>>
    %dma_wait3A_122 = tpu.memref_slice %arg2[%dma_wait3A_116, %mul3A_2] : memref<4x2048xi32, #tpu.memory_space<hbm>> -> memref<1x64xi32, #tpu.memory_space<hbm>>
    %dma_wait3A_123 = tpu.memref_squeeze %dma_wait3A_122 : memref<1x64xi32, #tpu.memory_space<hbm>> -> memref<64xi32, #tpu.memory_space<hbm>>
    %dma_wait3A_124 = tpu.memref_slice %arg10[%dma_wait3A_118] : memref<4x!tpu.dma_semaphore, #tpu.memory_space<semaphore_mem>> -> memref<1x!tpu.dma_semaphore, #tpu.memory_space<semaphore_mem>>
    %dma_wait3A_125 = tpu.memref_squeeze %dma_wait3A_124 : memref<1x!tpu.dma_semaphore, #tpu.memory_space<semaphore_mem>> -> memref<!tpu.dma_semaphore, #tpu.memory_space<semaphore_mem>>
    %dma_wait3A_126 = arith.constant 0 : i32
    %dma_wait3A_127 = tpu.memref_slice %arg6[%dma_wait3A_117, %dma_wait3A_126] : memref<4x64xi32, #tpu.memory_space<vmem>> -> memref<1x64xi32, #tpu.memory_space<vmem>>
    %dma_wait3A_128 = tpu.memref_squeeze %dma_wait3A_127 : memref<1x64xi32, #tpu.memory_space<vmem>> -> memref<64xi32, #tpu.memory_space<vmem>>
    %dma_wait3A_129 = tpu.memref_slice %arg2[%dma_wait3A_116, %mul3A_2] : memref<4x2048xi32, #tpu.memory_space<hbm>> -> memref<1x64xi32, #tpu.memory_space<hbm>>
    %dma_wait3A_130 = tpu.memref_squeeze %dma_wait3A_129 : memref<1x64xi32, #tpu.memory_space<hbm>> -> memref<64xi32, #tpu.memory_space<hbm>>
    tpu.wait_dma2 semaphore(%dma_wait3A_125 : memref<!tpu.dma_semaphore, #tpu.memory_space<semaphore_mem>>) src(%dma_wait3A_130 : memref<64xi32, #tpu.memory_space<hbm>>) dst(%dma_wait3A_128 : memref<64xi32, #tpu.memory_space<vmem>>)
    %dma_wait3A_131 = arith.constant 2 : i32
    %dma_wait3A_132 = arith.constant 2 : i32
    %dma_wait3A_133 = arith.constant 2 : i32
    %dma_wait3A_134 = arith.constant 0 : i32
    %dma_wait3A_135 = tpu.memref_slice %arg6[%dma_wait3A_132, %dma_wait3A_134] : memref<4x64xi32, #tpu.memory_space<vmem>> -> memref<1x64xi32, #tpu.memory_space<vmem>>
    %dma_wait3A_136 = tpu.memref_squeeze %dma_wait3A_135 : memref<1x64xi32, #tpu.memory_space<vmem>> -> memref<64xi32, #tpu.memory_space<vmem>>
    %dma_wait3A_137 = tpu.memref_slice %arg2[%dma_wait3A_131, %mul3A_2] : memref<4x2048xi32, #tpu.memory_space<hbm>> -> memref<1x64xi32, #tpu.memory_space<hbm>>
    %dma_wait3A_138 = tpu.memref_squeeze %dma_wait3A_137 : memref<1x64xi32, #tpu.memory_space<hbm>> -> memref<64xi32, #tpu.memory_space<hbm>>
    %dma_wait3A_139 = tpu.memref_slice %arg10[%dma_wait3A_133] : memref<4x!tpu.dma_semaphore, #tpu.memory_space<semaphore_mem>> -> memref<1x!tpu.dma_semaphore, #tpu.memory_space<semaphore_mem>>
    %dma_wait3A_140 = tpu.memref_squeeze %dma_wait3A_139 : memref<1x!tpu.dma_semaphore, #tpu.memory_space<semaphore_mem>> -> memref<!tpu.dma_semaphore, #tpu.memory_space<semaphore_mem>>
    %dma_wait3A_141 = arith.constant 0 : i32
    %dma_wait3A_142 = tpu.memref_slice %arg6[%dma_wait3A_132, %dma_wait3A_141] : memref<4x64xi32, #tpu.memory_space<vmem>> -> memref<1x64xi32, #tpu.memory_space<vmem>>
    %dma_wait3A_143 = tpu.memref_squeeze %dma_wait3A_142 : memref<1x64xi32, #tpu.memory_space<vmem>> -> memref<64xi32, #tpu.memory_space<vmem>>
    %dma_wait3A_144 = tpu.memref_slice %arg2[%dma_wait3A_131, %mul3A_2] : memref<4x2048xi32, #tpu.memory_space<hbm>> -> memref<1x64xi32, #tpu.memory_space<hbm>>
    %dma_wait3A_145 = tpu.memref_squeeze %dma_wait3A_144 : memref<1x64xi32, #tpu.memory_space<hbm>> -> memref<64xi32, #tpu.memory_space<hbm>>
    tpu.wait_dma2 semaphore(%dma_wait3A_140 : memref<!tpu.dma_semaphore, #tpu.memory_space<semaphore_mem>>) src(%dma_wait3A_145 : memref<64xi32, #tpu.memory_space<hbm>>) dst(%dma_wait3A_143 : memref<64xi32, #tpu.memory_space<vmem>>)
    %dma_wait3A_146 = arith.constant 3 : i32
    %dma_wait3A_147 = arith.constant 3 : i32
    %dma_wait3A_148 = arith.constant 3 : i32
    %dma_wait3A_149 = arith.constant 0 : i32
    %dma_wait3A_150 = tpu.memref_slice %arg6[%dma_wait3A_147, %dma_wait3A_149] : memref<4x64xi32, #tpu.memory_space<vmem>> -> memref<1x64xi32, #tpu.memory_space<vmem>>
    %dma_wait3A_151 = tpu.memref_squeeze %dma_wait3A_150 : memref<1x64xi32, #tpu.memory_space<vmem>> -> memref<64xi32, #tpu.memory_space<vmem>>
    %dma_wait3A_152 = tpu.memref_slice %arg2[%dma_wait3A_146, %mul3A_2] : memref<4x2048xi32, #tpu.memory_space<hbm>> -> memref<1x64xi32, #tpu.memory_space<hbm>>
    %dma_wait3A_153 = tpu.memref_squeeze %dma_wait3A_152 : memref<1x64xi32, #tpu.memory_space<hbm>> -> memref<64xi32, #tpu.memory_space<hbm>>
    %dma_wait3A_154 = tpu.memref_slice %arg10[%dma_wait3A_148] : memref<4x!tpu.dma_semaphore, #tpu.memory_space<semaphore_mem>> -> memref<1x!tpu.dma_semaphore, #tpu.memory_space<semaphore_mem>>
    %dma_wait3A_155 = tpu.memref_squeeze %dma_wait3A_154 : memref<1x!tpu.dma_semaphore, #tpu.memory_space<semaphore_mem>> -> memref<!tpu.dma_semaphore, #tpu.memory_space<semaphore_mem>>
    %dma_wait3A_156 = arith.constant 0 : i32
    %dma_wait3A_157 = tpu.memref_slice %arg6[%dma_wait3A_147, %dma_wait3A_156] : memref<4x64xi32, #tpu.memory_space<vmem>> -> memref<1x64xi32, #tpu.memory_space<vmem>>
    %dma_wait3A_158 = tpu.memref_squeeze %dma_wait3A_157 : memref<1x64xi32, #tpu.memory_space<vmem>> -> memref<64xi32, #tpu.memory_space<vmem>>
    %dma_wait3A_159 = tpu.memref_slice %arg2[%dma_wait3A_146, %mul3A_2] : memref<4x2048xi32, #tpu.memory_space<hbm>> -> memref<1x64xi32, #tpu.memory_space<hbm>>
    %dma_wait3A_160 = tpu.memref_squeeze %dma_wait3A_159 : memref<1x64xi32, #tpu.memory_space<hbm>> -> memref<64xi32, #tpu.memory_space<hbm>>
    tpu.wait_dma2 semaphore(%dma_wait3A_155 : memref<!tpu.dma_semaphore, #tpu.memory_space<semaphore_mem>>) src(%dma_wait3A_160 : memref<64xi32, #tpu.memory_space<hbm>>) dst(%dma_wait3A_158 : memref<64xi32, #tpu.memory_space<vmem>>)
    %dma_start3A_161 = arith.constant 0 : i32
    %dma_start3A_162 = arith.constant 0 : i32
    %dma_start3A_163 = arith.constant 0 : i32
    %dma_start3A_164 = arith.constant 0 : i32
    %dma_start3A_165 = tpu.memref_slice %arg8[%dma_start3A_163, %dma_start3A_164] : memref<256x128xf32, #tpu.memory_space<vmem>> -> memref<32x128xf32, #tpu.memory_space<vmem>>
    %dma_start3A_166 = arith.constant 0 : i32
    %dma_start3A_167 = tpu.memref_slice %arg6[%dma_start3A_161, %dma_start3A_166] : memref<4x64xi32, #tpu.memory_space<vmem>> -> memref<1x32xi32, #tpu.memory_space<vmem>>
    %dma_start3A_168 = tpu.memref_squeeze %dma_start3A_167 : memref<1x32xi32, #tpu.memory_space<vmem>> -> memref<32xi32, #tpu.memory_space<vmem>>
    %dma_start3A_169 = arith.constant 0 : i32
    %dma_start3A_170 = arith.constant 0 : i32
    %dma_start3A_171 = tpu.memref_slice %arg3[%dma_start3A_169, %dma_start3A_170] : memref<1000000x128xf32, #tpu.memory_space<hbm>> -> memref<1000000x128xf32, #tpu.memory_space<hbm>>
    %dma_start3A_172 = tpu.memref_slice %arg12[%dma_start3A_162] : memref<8x!tpu.dma_semaphore, #tpu.memory_space<semaphore_mem>> -> memref<1x!tpu.dma_semaphore, #tpu.memory_space<semaphore_mem>>
    %dma_start3A_173 = tpu.memref_squeeze %dma_start3A_172 : memref<1x!tpu.dma_semaphore, #tpu.memory_space<semaphore_mem>> -> memref<!tpu.dma_semaphore, #tpu.memory_space<semaphore_mem>>
    tpu.enqueue_indirect_dma source(%dma_start3A_171 : memref<1000000x128xf32, #tpu.memory_space<hbm>>) target(%dma_start3A_165 : memref<32x128xf32, #tpu.memory_space<vmem>>) offsets(%dma_start3A_168 : memref<32xi32, #tpu.memory_space<vmem>>) semaphore(%dma_start3A_173 : memref<!tpu.dma_semaphore, #tpu.memory_space<semaphore_mem>>)
    %dma_start3A_174 = arith.constant 0 : i32
    %dma_start3A_175 = arith.constant 1 : i32
    %dma_start3A_176 = arith.constant 32 : i32
    %dma_start3A_177 = arith.constant 0 : i32
    %dma_start3A_178 = tpu.memref_slice %arg8[%dma_start3A_176, %dma_start3A_177] : memref<256x128xf32, #tpu.memory_space<vmem>> -> memref<32x128xf32, #tpu.memory_space<vmem>>
    %dma_start3A_179 = arith.constant 32 : i32
    %dma_start3A_180 = tpu.memref_slice %arg6[%dma_start3A_174, %dma_start3A_179] : memref<4x64xi32, #tpu.memory_space<vmem>> -> memref<1x32xi32, #tpu.memory_space<vmem>>
    %dma_start3A_181 = tpu.memref_squeeze %dma_start3A_180 : memref<1x32xi32, #tpu.memory_space<vmem>> -> memref<32xi32, #tpu.memory_space<vmem>>
    %dma_start3A_182 = arith.constant 0 : i32
    %dma_start3A_183 = arith.constant 0 : i32
    %dma_start3A_184 = tpu.memref_slice %arg3[%dma_start3A_182, %dma_start3A_183] : memref<1000000x128xf32, #tpu.memory_space<hbm>> -> memref<1000000x128xf32, #tpu.memory_space<hbm>>
    %dma_start3A_185 = tpu.memref_slice %arg12[%dma_start3A_175] : memref<8x!tpu.dma_semaphore, #tpu.memory_space<semaphore_mem>> -> memref<1x!tpu.dma_semaphore, #tpu.memory_space<semaphore_mem>>
    %dma_start3A_186 = tpu.memref_squeeze %dma_start3A_185 : memref<1x!tpu.dma_semaphore, #tpu.memory_space<semaphore_mem>> -> memref<!tpu.dma_semaphore, #tpu.memory_space<semaphore_mem>>
    tpu.enqueue_indirect_dma source(%dma_start3A_184 : memref<1000000x128xf32, #tpu.memory_space<hbm>>) target(%dma_start3A_178 : memref<32x128xf32, #tpu.memory_space<vmem>>) offsets(%dma_start3A_181 : memref<32xi32, #tpu.memory_space<vmem>>) semaphore(%dma_start3A_186 : memref<!tpu.dma_semaphore, #tpu.memory_space<semaphore_mem>>)
    %dma_start3A_187 = arith.constant 1 : i32
    %dma_start3A_188 = arith.constant 2 : i32
    %dma_start3A_189 = arith.constant 64 : i32
    %dma_start3A_190 = arith.constant 0 : i32
    %dma_start3A_191 = tpu.memref_slice %arg8[%dma_start3A_189, %dma_start3A_190] : memref<256x128xf32, #tpu.memory_space<vmem>> -> memref<32x128xf32, #tpu.memory_space<vmem>>
    %dma_start3A_192 = arith.constant 0 : i32
    %dma_start3A_193 = tpu.memref_slice %arg6[%dma_start3A_187, %dma_start3A_192] : memref<4x64xi32, #tpu.memory_space<vmem>> -> memref<1x32xi32, #tpu.memory_space<vmem>>
    %dma_start3A_194 = tpu.memref_squeeze %dma_start3A_193 : memref<1x32xi32, #tpu.memory_space<vmem>> -> memref<32xi32, #tpu.memory_space<vmem>>
    %dma_start3A_195 = arith.constant 0 : i32
    %dma_start3A_196 = arith.constant 0 : i32
    %dma_start3A_197 = tpu.memref_slice %arg3[%dma_start3A_195, %dma_start3A_196] : memref<1000000x128xf32, #tpu.memory_space<hbm>> -> memref<1000000x128xf32, #tpu.memory_space<hbm>>
    %dma_start3A_198 = tpu.memref_slice %arg12[%dma_start3A_188] : memref<8x!tpu.dma_semaphore, #tpu.memory_space<semaphore_mem>> -> memref<1x!tpu.dma_semaphore, #tpu.memory_space<semaphore_mem>>
    %dma_start3A_199 = tpu.memref_squeeze %dma_start3A_198 : memref<1x!tpu.dma_semaphore, #tpu.memory_space<semaphore_mem>> -> memref<!tpu.dma_semaphore, #tpu.memory_space<semaphore_mem>>
    tpu.enqueue_indirect_dma source(%dma_start3A_197 : memref<1000000x128xf32, #tpu.memory_space<hbm>>) target(%dma_start3A_191 : memref<32x128xf32, #tpu.memory_space<vmem>>) offsets(%dma_start3A_194 : memref<32xi32, #tpu.memory_space<vmem>>) semaphore(%dma_start3A_199 : memref<!tpu.dma_semaphore, #tpu.memory_space<semaphore_mem>>)
    %dma_start3A_200 = arith.constant 1 : i32
    %dma_start3A_201 = arith.constant 3 : i32
    %dma_start3A_202 = arith.constant 96 : i32
    %dma_start3A_203 = arith.constant 0 : i32
    %dma_start3A_204 = tpu.memref_slice %arg8[%dma_start3A_202, %dma_start3A_203] : memref<256x128xf32, #tpu.memory_space<vmem>> -> memref<32x128xf32, #tpu.memory_space<vmem>>
    %dma_start3A_205 = arith.constant 32 : i32
    %dma_start3A_206 = tpu.memref_slice %arg6[%dma_start3A_200, %dma_start3A_205] : memref<4x64xi32, #tpu.memory_space<vmem>> -> memref<1x32xi32, #tpu.memory_space<vmem>>
    %dma_start3A_207 = tpu.memref_squeeze %dma_start3A_206 : memref<1x32xi32, #tpu.memory_space<vmem>> -> memref<32xi32, #tpu.memory_space<vmem>>
    %dma_start3A_208 = arith.constant 0 : i32
    %dma_start3A_209 = arith.constant 0 : i32
    %dma_start3A_210 = tpu.memref_slice %arg3[%dma_start3A_208, %dma_start3A_209] : memref<1000000x128xf32, #tpu.memory_space<hbm>> -> memref<1000000x128xf32, #tpu.memory_space<hbm>>
    %dma_start3A_211 = tpu.memref_slice %arg12[%dma_start3A_201] : memref<8x!tpu.dma_semaphore, #tpu.memory_space<semaphore_mem>> -> memref<1x!tpu.dma_semaphore, #tpu.memory_space<semaphore_mem>>
    %dma_start3A_212 = tpu.memref_squeeze %dma_start3A_211 : memref<1x!tpu.dma_semaphore, #tpu.memory_space<semaphore_mem>> -> memref<!tpu.dma_semaphore, #tpu.memory_space<semaphore_mem>>
    tpu.enqueue_indirect_dma source(%dma_start3A_210 : memref<1000000x128xf32, #tpu.memory_space<hbm>>) target(%dma_start3A_204 : memref<32x128xf32, #tpu.memory_space<vmem>>) offsets(%dma_start3A_207 : memref<32xi32, #tpu.memory_space<vmem>>) semaphore(%dma_start3A_212 : memref<!tpu.dma_semaphore, #tpu.memory_space<semaphore_mem>>)
    %dma_start3A_213 = arith.constant 2 : i32
    %dma_start3A_214 = arith.constant 4 : i32
    %dma_start3A_215 = arith.constant 128 : i32
    %dma_start3A_216 = arith.constant 0 : i32
    %dma_start3A_217 = tpu.memref_slice %arg8[%dma_start3A_215, %dma_start3A_216] : memref<256x128xf32, #tpu.memory_space<vmem>> -> memref<32x128xf32, #tpu.memory_space<vmem>>
    %dma_start3A_218 = arith.constant 0 : i32
    %dma_start3A_219 = tpu.memref_slice %arg6[%dma_start3A_213, %dma_start3A_218] : memref<4x64xi32, #tpu.memory_space<vmem>> -> memref<1x32xi32, #tpu.memory_space<vmem>>
    %dma_start3A_220 = tpu.memref_squeeze %dma_start3A_219 : memref<1x32xi32, #tpu.memory_space<vmem>> -> memref<32xi32, #tpu.memory_space<vmem>>
    %dma_start3A_221 = arith.constant 0 : i32
    %dma_start3A_222 = arith.constant 0 : i32
    %dma_start3A_223 = tpu.memref_slice %arg3[%dma_start3A_221, %dma_start3A_222] : memref<1000000x128xf32, #tpu.memory_space<hbm>> -> memref<1000000x128xf32, #tpu.memory_space<hbm>>
    %dma_start3A_224 = tpu.memref_slice %arg12[%dma_start3A_214] : memref<8x!tpu.dma_semaphore, #tpu.memory_space<semaphore_mem>> -> memref<1x!tpu.dma_semaphore, #tpu.memory_space<semaphore_mem>>
    %dma_start3A_225 = tpu.memref_squeeze %dma_start3A_224 : memref<1x!tpu.dma_semaphore, #tpu.memory_space<semaphore_mem>> -> memref<!tpu.dma_semaphore, #tpu.memory_space<semaphore_mem>>
    tpu.enqueue_indirect_dma source(%dma_start3A_223 : memref<1000000x128xf32, #tpu.memory_space<hbm>>) target(%dma_start3A_217 : memref<32x128xf32, #tpu.memory_space<vmem>>) offsets(%dma_start3A_220 : memref<32xi32, #tpu.memory_space<vmem>>) semaphore(%dma_start3A_225 : memref<!tpu.dma_semaphore, #tpu.memory_space<semaphore_mem>>)
    %dma_start3A_226 = arith.constant 2 : i32
    %dma_start3A_227 = arith.constant 5 : i32
    %dma_start3A_228 = arith.constant 160 : i32
    %dma_start3A_229 = arith.constant 0 : i32
    %dma_start3A_230 = tpu.memref_slice %arg8[%dma_start3A_228, %dma_start3A_229] : memref<256x128xf32, #tpu.memory_space<vmem>> -> memref<32x128xf32, #tpu.memory_space<vmem>>
    %dma_start3A_231 = arith.constant 32 : i32
    %dma_start3A_232 = tpu.memref_slice %arg6[%dma_start3A_226, %dma_start3A_231] : memref<4x64xi32, #tpu.memory_space<vmem>> -> memref<1x32xi32, #tpu.memory_space<vmem>>
    %dma_start3A_233 = tpu.memref_squeeze %dma_start3A_232 : memref<1x32xi32, #tpu.memory_space<vmem>> -> memref<32xi32, #tpu.memory_space<vmem>>
    %dma_start3A_234 = arith.constant 0 : i32
    %dma_start3A_235 = arith.constant 0 : i32
    %dma_start3A_236 = tpu.memref_slice %arg3[%dma_start3A_234, %dma_start3A_235] : memref<1000000x128xf32, #tpu.memory_space<hbm>> -> memref<1000000x128xf32, #tpu.memory_space<hbm>>
    %dma_start3A_237 = tpu.memref_slice %arg12[%dma_start3A_227] : memref<8x!tpu.dma_semaphore, #tpu.memory_space<semaphore_mem>> -> memref<1x!tpu.dma_semaphore, #tpu.memory_space<semaphore_mem>>
    %dma_start3A_238 = tpu.memref_squeeze %dma_start3A_237 : memref<1x!tpu.dma_semaphore, #tpu.memory_space<semaphore_mem>> -> memref<!tpu.dma_semaphore, #tpu.memory_space<semaphore_mem>>
    tpu.enqueue_indirect_dma source(%dma_start3A_236 : memref<1000000x128xf32, #tpu.memory_space<hbm>>) target(%dma_start3A_230 : memref<32x128xf32, #tpu.memory_space<vmem>>) offsets(%dma_start3A_233 : memref<32xi32, #tpu.memory_space<vmem>>) semaphore(%dma_start3A_238 : memref<!tpu.dma_semaphore, #tpu.memory_space<semaphore_mem>>)
    %dma_start3A_239 = arith.constant 3 : i32
    %dma_start3A_240 = arith.constant 6 : i32
    %dma_start3A_241 = arith.constant 192 : i32
    %dma_start3A_242 = arith.constant 0 : i32
    %dma_start3A_243 = tpu.memref_slice %arg8[%dma_start3A_241, %dma_start3A_242] : memref<256x128xf32, #tpu.memory_space<vmem>> -> memref<32x128xf32, #tpu.memory_space<vmem>>
    %dma_start3A_244 = arith.constant 0 : i32
    %dma_start3A_245 = tpu.memref_slice %arg6[%dma_start3A_239, %dma_start3A_244] : memref<4x64xi32, #tpu.memory_space<vmem>> -> memref<1x32xi32, #tpu.memory_space<vmem>>
    %dma_start3A_246 = tpu.memref_squeeze %dma_start3A_245 : memref<1x32xi32, #tpu.memory_space<vmem>> -> memref<32xi32, #tpu.memory_space<vmem>>
    %dma_start3A_247 = arith.constant 0 : i32
    %dma_start3A_248 = arith.constant 0 : i32
    %dma_start3A_249 = tpu.memref_slice %arg3[%dma_start3A_247, %dma_start3A_248] : memref<1000000x128xf32, #tpu.memory_space<hbm>> -> memref<1000000x128xf32, #tpu.memory_space<hbm>>
    %dma_start3A_250 = tpu.memref_slice %arg12[%dma_start3A_240] : memref<8x!tpu.dma_semaphore, #tpu.memory_space<semaphore_mem>> -> memref<1x!tpu.dma_semaphore, #tpu.memory_space<semaphore_mem>>
    %dma_start3A_251 = tpu.memref_squeeze %dma_start3A_250 : memref<1x!tpu.dma_semaphore, #tpu.memory_space<semaphore_mem>> -> memref<!tpu.dma_semaphore, #tpu.memory_space<semaphore_mem>>
    tpu.enqueue_indirect_dma source(%dma_start3A_249 : memref<1000000x128xf32, #tpu.memory_space<hbm>>) target(%dma_start3A_243 : memref<32x128xf32, #tpu.memory_space<vmem>>) offsets(%dma_start3A_246 : memref<32xi32, #tpu.memory_space<vmem>>) semaphore(%dma_start3A_251 : memref<!tpu.dma_semaphore, #tpu.memory_space<semaphore_mem>>)
    %dma_start3A_252 = arith.constant 3 : i32
    %dma_start3A_253 = arith.constant 7 : i32
    %dma_start3A_254 = arith.constant 224 : i32
    %dma_start3A_255 = arith.constant 0 : i32
    %dma_start3A_256 = tpu.memref_slice %arg8[%dma_start3A_254, %dma_start3A_255] : memref<256x128xf32, #tpu.memory_space<vmem>> -> memref<32x128xf32, #tpu.memory_space<vmem>>
    %dma_start3A_257 = arith.constant 32 : i32
    %dma_start3A_258 = tpu.memref_slice %arg6[%dma_start3A_252, %dma_start3A_257] : memref<4x64xi32, #tpu.memory_space<vmem>> -> memref<1x32xi32, #tpu.memory_space<vmem>>
    %dma_start3A_259 = tpu.memref_squeeze %dma_start3A_258 : memref<1x32xi32, #tpu.memory_space<vmem>> -> memref<32xi32, #tpu.memory_space<vmem>>
    %dma_start3A_260 = arith.constant 0 : i32
    %dma_start3A_261 = arith.constant 0 : i32
    %dma_start3A_262 = tpu.memref_slice %arg3[%dma_start3A_260, %dma_start3A_261] : memref<1000000x128xf32, #tpu.memory_space<hbm>> -> memref<1000000x128xf32, #tpu.memory_space<hbm>>
    %dma_start3A_263 = tpu.memref_slice %arg12[%dma_start3A_253] : memref<8x!tpu.dma_semaphore, #tpu.memory_space<semaphore_mem>> -> memref<1x!tpu.dma_semaphore, #tpu.memory_space<semaphore_mem>>
    %dma_start3A_264 = tpu.memref_squeeze %dma_start3A_263 : memref<1x!tpu.dma_semaphore, #tpu.memory_space<semaphore_mem>> -> memref<!tpu.dma_semaphore, #tpu.memory_space<semaphore_mem>>
    tpu.enqueue_indirect_dma source(%dma_start3A_262 : memref<1000000x128xf32, #tpu.memory_space<hbm>>) target(%dma_start3A_256 : memref<32x128xf32, #tpu.memory_space<vmem>>) offsets(%dma_start3A_259 : memref<32xi32, #tpu.memory_space<vmem>>) semaphore(%dma_start3A_264 : memref<!tpu.dma_semaphore, #tpu.memory_space<semaphore_mem>>)
    %dma_wait3A_265 = arith.constant 0 : i32
    %dma_wait3A_266 = tpu.memref_slice %arg9[%mul3A_4, %dma_wait3A_265] : memref<1024x128xf32, #tpu.memory_space<vmem_shared>> -> memref<64x128xf32, #tpu.memory_space<vmem_shared>>
    %dma_wait3A_267 = arith.constant 0 : i32
    %dma_wait3A_268 = tpu.memref_slice %arg4[%mul3A_2, %dma_wait3A_267] : memref<2048x128xf32, #tpu.memory_space<hbm>> -> memref<64x128xf32, #tpu.memory_space<hbm>>
    tpu.wait_dma2 semaphore(%arg11 : memref<!tpu.dma_semaphore, #tpu.memory_space<semaphore_mem>>) src(%dma_wait3A_268 : memref<64x128xf32, #tpu.memory_space<hbm>>) dst(%dma_wait3A_266 : memref<64x128xf32, #tpu.memory_space<vmem_shared>>)
    %dma_wait3A_269 = arith.constant 0 : i32
    %dma_wait3A_270 = arith.constant 0 : i32
    %dma_wait3A_271 = arith.constant 0 : i32
    %dma_wait3A_272 = arith.constant 0 : i32
    %dma_wait3A_273 = tpu.memref_slice %arg8[%dma_wait3A_271, %dma_wait3A_272] : memref<256x128xf32, #tpu.memory_space<vmem>> -> memref<32x128xf32, #tpu.memory_space<vmem>>
    %dma_wait3A_274 = arith.constant 0 : i32
    %dma_wait3A_275 = tpu.memref_slice %arg6[%dma_wait3A_269, %dma_wait3A_274] : memref<4x64xi32, #tpu.memory_space<vmem>> -> memref<1x32xi32, #tpu.memory_space<vmem>>
    %dma_wait3A_276 = tpu.memref_squeeze %dma_wait3A_275 : memref<1x32xi32, #tpu.memory_space<vmem>> -> memref<32xi32, #tpu.memory_space<vmem>>
    %dma_wait3A_277 = arith.constant 0 : i32
    %dma_wait3A_278 = arith.constant 0 : i32
    %dma_wait3A_279 = tpu.memref_slice %arg3[%dma_wait3A_277, %dma_wait3A_278] : memref<1000000x128xf32, #tpu.memory_space<hbm>> -> memref<1000000x128xf32, #tpu.memory_space<hbm>>
    %dma_wait3A_280 = tpu.memref_slice %arg12[%dma_wait3A_270] : memref<8x!tpu.dma_semaphore, #tpu.memory_space<semaphore_mem>> -> memref<1x!tpu.dma_semaphore, #tpu.memory_space<semaphore_mem>>
    %dma_wait3A_281 = tpu.memref_squeeze %dma_wait3A_280 : memref<1x!tpu.dma_semaphore, #tpu.memory_space<semaphore_mem>> -> memref<!tpu.dma_semaphore, #tpu.memory_space<semaphore_mem>>
    tpu.wait_indirect_dma semaphore(%dma_wait3A_281 : memref<!tpu.dma_semaphore, #tpu.memory_space<semaphore_mem>>) src(%dma_wait3A_279 : memref<1000000x128xf32, #tpu.memory_space<hbm>>) dst(%dma_wait3A_273 : memref<32x128xf32, #tpu.memory_space<vmem>>)
    %dma_start3A_282 = arith.constant 0 : i32
    %dma_start3A_283 = arith.constant 0 : i32
    %dma_start3A_284 = arith.constant 0 : i32
    %dma_start3A_285 = tpu.memref_slice %arg8[%dma_start3A_283, %dma_start3A_284] : memref<256x128xf32, #tpu.memory_space<vmem>> -> memref<32x128xf32, #tpu.memory_space<vmem>>
    %dma_start3A_286 = arith.constant 0 : i32
    %dma_start3A_287 = tpu.memref_slice %arg7[%dma_start3A_286] : memref<64xi32, #tpu.memory_space<vmem>> -> memref<32xi32, #tpu.memory_space<vmem>>
    %dma_start3A_288 = arith.constant 0 : i32
    %dma_start3A_289 = arith.constant 0 : i32
    %dma_start3A_290 = tpu.memref_slice %arg9[%dma_start3A_288, %dma_start3A_289] : memref<1024x128xf32, #tpu.memory_space<vmem_shared>> -> memref<1024x128xf32, #tpu.memory_space<vmem_shared>>
    %dma_start3A_291 = tpu.memref_slice %arg13[%dma_start3A_282] : memref<8x!tpu.dma_semaphore, #tpu.memory_space<semaphore_mem>> -> memref<1x!tpu.dma_semaphore, #tpu.memory_space<semaphore_mem>>
    %dma_start3A_292 = tpu.memref_squeeze %dma_start3A_291 : memref<1x!tpu.dma_semaphore, #tpu.memory_space<semaphore_mem>> -> memref<!tpu.dma_semaphore, #tpu.memory_space<semaphore_mem>>
    tpu.enqueue_indirect_dma source(%dma_start3A_290 : memref<1024x128xf32, #tpu.memory_space<vmem_shared>>) target(%dma_start3A_285 : memref<32x128xf32, #tpu.memory_space<vmem>>) offsets(%dma_start3A_287 : memref<32xi32, #tpu.memory_space<vmem>>) semaphore(%dma_start3A_292 : memref<!tpu.dma_semaphore, #tpu.memory_space<semaphore_mem>>) {add = true}
    %dma_wait3A_293 = arith.constant 0 : i32
    %dma_wait3A_294 = arith.constant 1 : i32
    %dma_wait3A_295 = arith.constant 32 : i32
    %dma_wait3A_296 = arith.constant 0 : i32
    %dma_wait3A_297 = tpu.memref_slice %arg8[%dma_wait3A_295, %dma_wait3A_296] : memref<256x128xf32, #tpu.memory_space<vmem>> -> memref<32x128xf32, #tpu.memory_space<vmem>>
    %dma_wait3A_298 = arith.constant 32 : i32
    %dma_wait3A_299 = tpu.memref_slice %arg6[%dma_wait3A_293, %dma_wait3A_298] : memref<4x64xi32, #tpu.memory_space<vmem>> -> memref<1x32xi32, #tpu.memory_space<vmem>>
    %dma_wait3A_300 = tpu.memref_squeeze %dma_wait3A_299 : memref<1x32xi32, #tpu.memory_space<vmem>> -> memref<32xi32, #tpu.memory_space<vmem>>
    %dma_wait3A_301 = arith.constant 0 : i32
    %dma_wait3A_302 = arith.constant 0 : i32
    %dma_wait3A_303 = tpu.memref_slice %arg3[%dma_wait3A_301, %dma_wait3A_302] : memref<1000000x128xf32, #tpu.memory_space<hbm>> -> memref<1000000x128xf32, #tpu.memory_space<hbm>>
    %dma_wait3A_304 = tpu.memref_slice %arg12[%dma_wait3A_294] : memref<8x!tpu.dma_semaphore, #tpu.memory_space<semaphore_mem>> -> memref<1x!tpu.dma_semaphore, #tpu.memory_space<semaphore_mem>>
    %dma_wait3A_305 = tpu.memref_squeeze %dma_wait3A_304 : memref<1x!tpu.dma_semaphore, #tpu.memory_space<semaphore_mem>> -> memref<!tpu.dma_semaphore, #tpu.memory_space<semaphore_mem>>
    tpu.wait_indirect_dma semaphore(%dma_wait3A_305 : memref<!tpu.dma_semaphore, #tpu.memory_space<semaphore_mem>>) src(%dma_wait3A_303 : memref<1000000x128xf32, #tpu.memory_space<hbm>>) dst(%dma_wait3A_297 : memref<32x128xf32, #tpu.memory_space<vmem>>)
    %dma_start3A_306 = arith.constant 1 : i32
    %dma_start3A_307 = arith.constant 32 : i32
    %dma_start3A_308 = arith.constant 0 : i32
    %dma_start3A_309 = tpu.memref_slice %arg8[%dma_start3A_307, %dma_start3A_308] : memref<256x128xf32, #tpu.memory_space<vmem>> -> memref<32x128xf32, #tpu.memory_space<vmem>>
    %dma_start3A_310 = arith.constant 32 : i32
    %dma_start3A_311 = tpu.memref_slice %arg7[%dma_start3A_310] : memref<64xi32, #tpu.memory_space<vmem>> -> memref<32xi32, #tpu.memory_space<vmem>>
    %dma_start3A_312 = arith.constant 0 : i32
    %dma_start3A_313 = arith.constant 0 : i32
    %dma_start3A_314 = tpu.memref_slice %arg9[%dma_start3A_312, %dma_start3A_313] : memref<1024x128xf32, #tpu.memory_space<vmem_shared>> -> memref<1024x128xf32, #tpu.memory_space<vmem_shared>>
    %dma_start3A_315 = tpu.memref_slice %arg13[%dma_start3A_306] : memref<8x!tpu.dma_semaphore, #tpu.memory_space<semaphore_mem>> -> memref<1x!tpu.dma_semaphore, #tpu.memory_space<semaphore_mem>>
    %dma_start3A_316 = tpu.memref_squeeze %dma_start3A_315 : memref<1x!tpu.dma_semaphore, #tpu.memory_space<semaphore_mem>> -> memref<!tpu.dma_semaphore, #tpu.memory_space<semaphore_mem>>
    tpu.enqueue_indirect_dma source(%dma_start3A_314 : memref<1024x128xf32, #tpu.memory_space<vmem_shared>>) target(%dma_start3A_309 : memref<32x128xf32, #tpu.memory_space<vmem>>) offsets(%dma_start3A_311 : memref<32xi32, #tpu.memory_space<vmem>>) semaphore(%dma_start3A_316 : memref<!tpu.dma_semaphore, #tpu.memory_space<semaphore_mem>>) {add = true}
    %dma_wait3A_317 = arith.constant 1 : i32
    %dma_wait3A_318 = arith.constant 2 : i32
    %dma_wait3A_319 = arith.constant 64 : i32
    %dma_wait3A_320 = arith.constant 0 : i32
    %dma_wait3A_321 = tpu.memref_slice %arg8[%dma_wait3A_319, %dma_wait3A_320] : memref<256x128xf32, #tpu.memory_space<vmem>> -> memref<32x128xf32, #tpu.memory_space<vmem>>
    %dma_wait3A_322 = arith.constant 0 : i32
    %dma_wait3A_323 = tpu.memref_slice %arg6[%dma_wait3A_317, %dma_wait3A_322] : memref<4x64xi32, #tpu.memory_space<vmem>> -> memref<1x32xi32, #tpu.memory_space<vmem>>
    %dma_wait3A_324 = tpu.memref_squeeze %dma_wait3A_323 : memref<1x32xi32, #tpu.memory_space<vmem>> -> memref<32xi32, #tpu.memory_space<vmem>>
    %dma_wait3A_325 = arith.constant 0 : i32
    %dma_wait3A_326 = arith.constant 0 : i32
    %dma_wait3A_327 = tpu.memref_slice %arg3[%dma_wait3A_325, %dma_wait3A_326] : memref<1000000x128xf32, #tpu.memory_space<hbm>> -> memref<1000000x128xf32, #tpu.memory_space<hbm>>
    %dma_wait3A_328 = tpu.memref_slice %arg12[%dma_wait3A_318] : memref<8x!tpu.dma_semaphore, #tpu.memory_space<semaphore_mem>> -> memref<1x!tpu.dma_semaphore, #tpu.memory_space<semaphore_mem>>
    %dma_wait3A_329 = tpu.memref_squeeze %dma_wait3A_328 : memref<1x!tpu.dma_semaphore, #tpu.memory_space<semaphore_mem>> -> memref<!tpu.dma_semaphore, #tpu.memory_space<semaphore_mem>>
    tpu.wait_indirect_dma semaphore(%dma_wait3A_329 : memref<!tpu.dma_semaphore, #tpu.memory_space<semaphore_mem>>) src(%dma_wait3A_327 : memref<1000000x128xf32, #tpu.memory_space<hbm>>) dst(%dma_wait3A_321 : memref<32x128xf32, #tpu.memory_space<vmem>>)
    %dma_start3A_330 = arith.constant 2 : i32
    %dma_start3A_331 = arith.constant 64 : i32
    %dma_start3A_332 = arith.constant 0 : i32
    %dma_start3A_333 = tpu.memref_slice %arg8[%dma_start3A_331, %dma_start3A_332] : memref<256x128xf32, #tpu.memory_space<vmem>> -> memref<32x128xf32, #tpu.memory_space<vmem>>
    %dma_start3A_334 = arith.constant 0 : i32
    %dma_start3A_335 = tpu.memref_slice %arg7[%dma_start3A_334] : memref<64xi32, #tpu.memory_space<vmem>> -> memref<32xi32, #tpu.memory_space<vmem>>
    %dma_start3A_336 = arith.constant 0 : i32
    %dma_start3A_337 = arith.constant 0 : i32
    %dma_start3A_338 = tpu.memref_slice %arg9[%dma_start3A_336, %dma_start3A_337] : memref<1024x128xf32, #tpu.memory_space<vmem_shared>> -> memref<1024x128xf32, #tpu.memory_space<vmem_shared>>
    %dma_start3A_339 = tpu.memref_slice %arg13[%dma_start3A_330] : memref<8x!tpu.dma_semaphore, #tpu.memory_space<semaphore_mem>> -> memref<1x!tpu.dma_semaphore, #tpu.memory_space<semaphore_mem>>
    %dma_start3A_340 = tpu.memref_squeeze %dma_start3A_339 : memref<1x!tpu.dma_semaphore, #tpu.memory_space<semaphore_mem>> -> memref<!tpu.dma_semaphore, #tpu.memory_space<semaphore_mem>>
    tpu.enqueue_indirect_dma source(%dma_start3A_338 : memref<1024x128xf32, #tpu.memory_space<vmem_shared>>) target(%dma_start3A_333 : memref<32x128xf32, #tpu.memory_space<vmem>>) offsets(%dma_start3A_335 : memref<32xi32, #tpu.memory_space<vmem>>) semaphore(%dma_start3A_340 : memref<!tpu.dma_semaphore, #tpu.memory_space<semaphore_mem>>) {add = true}
    %dma_wait3A_341 = arith.constant 1 : i32
    %dma_wait3A_342 = arith.constant 3 : i32
    %dma_wait3A_343 = arith.constant 96 : i32
    %dma_wait3A_344 = arith.constant 0 : i32
    %dma_wait3A_345 = tpu.memref_slice %arg8[%dma_wait3A_343, %dma_wait3A_344] : memref<256x128xf32, #tpu.memory_space<vmem>> -> memref<32x128xf32, #tpu.memory_space<vmem>>
    %dma_wait3A_346 = arith.constant 32 : i32
    %dma_wait3A_347 = tpu.memref_slice %arg6[%dma_wait3A_341, %dma_wait3A_346] : memref<4x64xi32, #tpu.memory_space<vmem>> -> memref<1x32xi32, #tpu.memory_space<vmem>>
    %dma_wait3A_348 = tpu.memref_squeeze %dma_wait3A_347 : memref<1x32xi32, #tpu.memory_space<vmem>> -> memref<32xi32, #tpu.memory_space<vmem>>
    %dma_wait3A_349 = arith.constant 0 : i32
    %dma_wait3A_350 = arith.constant 0 : i32
    %dma_wait3A_351 = tpu.memref_slice %arg3[%dma_wait3A_349, %dma_wait3A_350] : memref<1000000x128xf32, #tpu.memory_space<hbm>> -> memref<1000000x128xf32, #tpu.memory_space<hbm>>
    %dma_wait3A_352 = tpu.memref_slice %arg12[%dma_wait3A_342] : memref<8x!tpu.dma_semaphore, #tpu.memory_space<semaphore_mem>> -> memref<1x!tpu.dma_semaphore, #tpu.memory_space<semaphore_mem>>
    %dma_wait3A_353 = tpu.memref_squeeze %dma_wait3A_352 : memref<1x!tpu.dma_semaphore, #tpu.memory_space<semaphore_mem>> -> memref<!tpu.dma_semaphore, #tpu.memory_space<semaphore_mem>>
    tpu.wait_indirect_dma semaphore(%dma_wait3A_353 : memref<!tpu.dma_semaphore, #tpu.memory_space<semaphore_mem>>) src(%dma_wait3A_351 : memref<1000000x128xf32, #tpu.memory_space<hbm>>) dst(%dma_wait3A_345 : memref<32x128xf32, #tpu.memory_space<vmem>>)
    %dma_start3A_354 = arith.constant 3 : i32
    %dma_start3A_355 = arith.constant 96 : i32
    %dma_start3A_356 = arith.constant 0 : i32
    %dma_start3A_357 = tpu.memref_slice %arg8[%dma_start3A_355, %dma_start3A_356] : memref<256x128xf32, #tpu.memory_space<vmem>> -> memref<32x128xf32, #tpu.memory_space<vmem>>
    %dma_start3A_358 = arith.constant 32 : i32
    %dma_start3A_359 = tpu.memref_slice %arg7[%dma_start3A_358] : memref<64xi32, #tpu.memory_space<vmem>> -> memref<32xi32, #tpu.memory_space<vmem>>
    %dma_start3A_360 = arith.constant 0 : i32
    %dma_start3A_361 = arith.constant 0 : i32
    %dma_start3A_362 = tpu.memref_slice %arg9[%dma_start3A_360, %dma_start3A_361] : memref<1024x128xf32, #tpu.memory_space<vmem_shared>> -> memref<1024x128xf32, #tpu.memory_space<vmem_shared>>
    %dma_start3A_363 = tpu.memref_slice %arg13[%dma_start3A_354] : memref<8x!tpu.dma_semaphore, #tpu.memory_space<semaphore_mem>> -> memref<1x!tpu.dma_semaphore, #tpu.memory_space<semaphore_mem>>
    %dma_start3A_364 = tpu.memref_squeeze %dma_start3A_363 : memref<1x!tpu.dma_semaphore, #tpu.memory_space<semaphore_mem>> -> memref<!tpu.dma_semaphore, #tpu.memory_space<semaphore_mem>>
    tpu.enqueue_indirect_dma source(%dma_start3A_362 : memref<1024x128xf32, #tpu.memory_space<vmem_shared>>) target(%dma_start3A_357 : memref<32x128xf32, #tpu.memory_space<vmem>>) offsets(%dma_start3A_359 : memref<32xi32, #tpu.memory_space<vmem>>) semaphore(%dma_start3A_364 : memref<!tpu.dma_semaphore, #tpu.memory_space<semaphore_mem>>) {add = true}
    %dma_wait3A_365 = arith.constant 2 : i32
    %dma_wait3A_366 = arith.constant 4 : i32
    %dma_wait3A_367 = arith.constant 128 : i32
    %dma_wait3A_368 = arith.constant 0 : i32
    %dma_wait3A_369 = tpu.memref_slice %arg8[%dma_wait3A_367, %dma_wait3A_368] : memref<256x128xf32, #tpu.memory_space<vmem>> -> memref<32x128xf32, #tpu.memory_space<vmem>>
    %dma_wait3A_370 = arith.constant 0 : i32
    %dma_wait3A_371 = tpu.memref_slice %arg6[%dma_wait3A_365, %dma_wait3A_370] : memref<4x64xi32, #tpu.memory_space<vmem>> -> memref<1x32xi32, #tpu.memory_space<vmem>>
    %dma_wait3A_372 = tpu.memref_squeeze %dma_wait3A_371 : memref<1x32xi32, #tpu.memory_space<vmem>> -> memref<32xi32, #tpu.memory_space<vmem>>
    %dma_wait3A_373 = arith.constant 0 : i32
    %dma_wait3A_374 = arith.constant 0 : i32
    %dma_wait3A_375 = tpu.memref_slice %arg3[%dma_wait3A_373, %dma_wait3A_374] : memref<1000000x128xf32, #tpu.memory_space<hbm>> -> memref<1000000x128xf32, #tpu.memory_space<hbm>>
    %dma_wait3A_376 = tpu.memref_slice %arg12[%dma_wait3A_366] : memref<8x!tpu.dma_semaphore, #tpu.memory_space<semaphore_mem>> -> memref<1x!tpu.dma_semaphore, #tpu.memory_space<semaphore_mem>>
    %dma_wait3A_377 = tpu.memref_squeeze %dma_wait3A_376 : memref<1x!tpu.dma_semaphore, #tpu.memory_space<semaphore_mem>> -> memref<!tpu.dma_semaphore, #tpu.memory_space<semaphore_mem>>
    tpu.wait_indirect_dma semaphore(%dma_wait3A_377 : memref<!tpu.dma_semaphore, #tpu.memory_space<semaphore_mem>>) src(%dma_wait3A_375 : memref<1000000x128xf32, #tpu.memory_space<hbm>>) dst(%dma_wait3A_369 : memref<32x128xf32, #tpu.memory_space<vmem>>)
    %dma_start3A_378 = arith.constant 4 : i32
    %dma_start3A_379 = arith.constant 128 : i32
    %dma_start3A_380 = arith.constant 0 : i32
    %dma_start3A_381 = tpu.memref_slice %arg8[%dma_start3A_379, %dma_start3A_380] : memref<256x128xf32, #tpu.memory_space<vmem>> -> memref<32x128xf32, #tpu.memory_space<vmem>>
    %dma_start3A_382 = arith.constant 0 : i32
    %dma_start3A_383 = tpu.memref_slice %arg7[%dma_start3A_382] : memref<64xi32, #tpu.memory_space<vmem>> -> memref<32xi32, #tpu.memory_space<vmem>>
    %dma_start3A_384 = arith.constant 0 : i32
    %dma_start3A_385 = arith.constant 0 : i32
    %dma_start3A_386 = tpu.memref_slice %arg9[%dma_start3A_384, %dma_start3A_385] : memref<1024x128xf32, #tpu.memory_space<vmem_shared>> -> memref<1024x128xf32, #tpu.memory_space<vmem_shared>>
    %dma_start3A_387 = tpu.memref_slice %arg13[%dma_start3A_378] : memref<8x!tpu.dma_semaphore, #tpu.memory_space<semaphore_mem>> -> memref<1x!tpu.dma_semaphore, #tpu.memory_space<semaphore_mem>>
    %dma_start3A_388 = tpu.memref_squeeze %dma_start3A_387 : memref<1x!tpu.dma_semaphore, #tpu.memory_space<semaphore_mem>> -> memref<!tpu.dma_semaphore, #tpu.memory_space<semaphore_mem>>
    tpu.enqueue_indirect_dma source(%dma_start3A_386 : memref<1024x128xf32, #tpu.memory_space<vmem_shared>>) target(%dma_start3A_381 : memref<32x128xf32, #tpu.memory_space<vmem>>) offsets(%dma_start3A_383 : memref<32xi32, #tpu.memory_space<vmem>>) semaphore(%dma_start3A_388 : memref<!tpu.dma_semaphore, #tpu.memory_space<semaphore_mem>>) {add = true}
    %dma_wait3A_389 = arith.constant 2 : i32
    %dma_wait3A_390 = arith.constant 5 : i32
    %dma_wait3A_391 = arith.constant 160 : i32
    %dma_wait3A_392 = arith.constant 0 : i32
    %dma_wait3A_393 = tpu.memref_slice %arg8[%dma_wait3A_391, %dma_wait3A_392] : memref<256x128xf32, #tpu.memory_space<vmem>> -> memref<32x128xf32, #tpu.memory_space<vmem>>
    %dma_wait3A_394 = arith.constant 32 : i32
    %dma_wait3A_395 = tpu.memref_slice %arg6[%dma_wait3A_389, %dma_wait3A_394] : memref<4x64xi32, #tpu.memory_space<vmem>> -> memref<1x32xi32, #tpu.memory_space<vmem>>
    %dma_wait3A_396 = tpu.memref_squeeze %dma_wait3A_395 : memref<1x32xi32, #tpu.memory_space<vmem>> -> memref<32xi32, #tpu.memory_space<vmem>>
    %dma_wait3A_397 = arith.constant 0 : i32
    %dma_wait3A_398 = arith.constant 0 : i32
    %dma_wait3A_399 = tpu.memref_slice %arg3[%dma_wait3A_397, %dma_wait3A_398] : memref<1000000x128xf32, #tpu.memory_space<hbm>> -> memref<1000000x128xf32, #tpu.memory_space<hbm>>
    %dma_wait3A_400 = tpu.memref_slice %arg12[%dma_wait3A_390] : memref<8x!tpu.dma_semaphore, #tpu.memory_space<semaphore_mem>> -> memref<1x!tpu.dma_semaphore, #tpu.memory_space<semaphore_mem>>
    %dma_wait3A_401 = tpu.memref_squeeze %dma_wait3A_400 : memref<1x!tpu.dma_semaphore, #tpu.memory_space<semaphore_mem>> -> memref<!tpu.dma_semaphore, #tpu.memory_space<semaphore_mem>>
    tpu.wait_indirect_dma semaphore(%dma_wait3A_401 : memref<!tpu.dma_semaphore, #tpu.memory_space<semaphore_mem>>) src(%dma_wait3A_399 : memref<1000000x128xf32, #tpu.memory_space<hbm>>) dst(%dma_wait3A_393 : memref<32x128xf32, #tpu.memory_space<vmem>>)
    %dma_start3A_402 = arith.constant 5 : i32
    %dma_start3A_403 = arith.constant 160 : i32
    %dma_start3A_404 = arith.constant 0 : i32
    %dma_start3A_405 = tpu.memref_slice %arg8[%dma_start3A_403, %dma_start3A_404] : memref<256x128xf32, #tpu.memory_space<vmem>> -> memref<32x128xf32, #tpu.memory_space<vmem>>
    %dma_start3A_406 = arith.constant 32 : i32
    %dma_start3A_407 = tpu.memref_slice %arg7[%dma_start3A_406] : memref<64xi32, #tpu.memory_space<vmem>> -> memref<32xi32, #tpu.memory_space<vmem>>
    %dma_start3A_408 = arith.constant 0 : i32
    %dma_start3A_409 = arith.constant 0 : i32
    %dma_start3A_410 = tpu.memref_slice %arg9[%dma_start3A_408, %dma_start3A_409] : memref<1024x128xf32, #tpu.memory_space<vmem_shared>> -> memref<1024x128xf32, #tpu.memory_space<vmem_shared>>
    %dma_start3A_411 = tpu.memref_slice %arg13[%dma_start3A_402] : memref<8x!tpu.dma_semaphore, #tpu.memory_space<semaphore_mem>> -> memref<1x!tpu.dma_semaphore, #tpu.memory_space<semaphore_mem>>
    %dma_start3A_412 = tpu.memref_squeeze %dma_start3A_411 : memref<1x!tpu.dma_semaphore, #tpu.memory_space<semaphore_mem>> -> memref<!tpu.dma_semaphore, #tpu.memory_space<semaphore_mem>>
    tpu.enqueue_indirect_dma source(%dma_start3A_410 : memref<1024x128xf32, #tpu.memory_space<vmem_shared>>) target(%dma_start3A_405 : memref<32x128xf32, #tpu.memory_space<vmem>>) offsets(%dma_start3A_407 : memref<32xi32, #tpu.memory_space<vmem>>) semaphore(%dma_start3A_412 : memref<!tpu.dma_semaphore, #tpu.memory_space<semaphore_mem>>) {add = true}
    %dma_wait3A_413 = arith.constant 3 : i32
    %dma_wait3A_414 = arith.constant 6 : i32
    %dma_wait3A_415 = arith.constant 192 : i32
    %dma_wait3A_416 = arith.constant 0 : i32
    %dma_wait3A_417 = tpu.memref_slice %arg8[%dma_wait3A_415, %dma_wait3A_416] : memref<256x128xf32, #tpu.memory_space<vmem>> -> memref<32x128xf32, #tpu.memory_space<vmem>>
    %dma_wait3A_418 = arith.constant 0 : i32
    %dma_wait3A_419 = tpu.memref_slice %arg6[%dma_wait3A_413, %dma_wait3A_418] : memref<4x64xi32, #tpu.memory_space<vmem>> -> memref<1x32xi32, #tpu.memory_space<vmem>>
    %dma_wait3A_420 = tpu.memref_squeeze %dma_wait3A_419 : memref<1x32xi32, #tpu.memory_space<vmem>> -> memref<32xi32, #tpu.memory_space<vmem>>
    %dma_wait3A_421 = arith.constant 0 : i32
    %dma_wait3A_422 = arith.constant 0 : i32
    %dma_wait3A_423 = tpu.memref_slice %arg3[%dma_wait3A_421, %dma_wait3A_422] : memref<1000000x128xf32, #tpu.memory_space<hbm>> -> memref<1000000x128xf32, #tpu.memory_space<hbm>>
    %dma_wait3A_424 = tpu.memref_slice %arg12[%dma_wait3A_414] : memref<8x!tpu.dma_semaphore, #tpu.memory_space<semaphore_mem>> -> memref<1x!tpu.dma_semaphore, #tpu.memory_space<semaphore_mem>>
    %dma_wait3A_425 = tpu.memref_squeeze %dma_wait3A_424 : memref<1x!tpu.dma_semaphore, #tpu.memory_space<semaphore_mem>> -> memref<!tpu.dma_semaphore, #tpu.memory_space<semaphore_mem>>
    tpu.wait_indirect_dma semaphore(%dma_wait3A_425 : memref<!tpu.dma_semaphore, #tpu.memory_space<semaphore_mem>>) src(%dma_wait3A_423 : memref<1000000x128xf32, #tpu.memory_space<hbm>>) dst(%dma_wait3A_417 : memref<32x128xf32, #tpu.memory_space<vmem>>)
    %dma_start3A_426 = arith.constant 6 : i32
    %dma_start3A_427 = arith.constant 192 : i32
    %dma_start3A_428 = arith.constant 0 : i32
    %dma_start3A_429 = tpu.memref_slice %arg8[%dma_start3A_427, %dma_start3A_428] : memref<256x128xf32, #tpu.memory_space<vmem>> -> memref<32x128xf32, #tpu.memory_space<vmem>>
    %dma_start3A_430 = arith.constant 0 : i32
    %dma_start3A_431 = tpu.memref_slice %arg7[%dma_start3A_430] : memref<64xi32, #tpu.memory_space<vmem>> -> memref<32xi32, #tpu.memory_space<vmem>>
    %dma_start3A_432 = arith.constant 0 : i32
    %dma_start3A_433 = arith.constant 0 : i32
    %dma_start3A_434 = tpu.memref_slice %arg9[%dma_start3A_432, %dma_start3A_433] : memref<1024x128xf32, #tpu.memory_space<vmem_shared>> -> memref<1024x128xf32, #tpu.memory_space<vmem_shared>>
    %dma_start3A_435 = tpu.memref_slice %arg13[%dma_start3A_426] : memref<8x!tpu.dma_semaphore, #tpu.memory_space<semaphore_mem>> -> memref<1x!tpu.dma_semaphore, #tpu.memory_space<semaphore_mem>>
    %dma_start3A_436 = tpu.memref_squeeze %dma_start3A_435 : memref<1x!tpu.dma_semaphore, #tpu.memory_space<semaphore_mem>> -> memref<!tpu.dma_semaphore, #tpu.memory_space<semaphore_mem>>
    tpu.enqueue_indirect_dma source(%dma_start3A_434 : memref<1024x128xf32, #tpu.memory_space<vmem_shared>>) target(%dma_start3A_429 : memref<32x128xf32, #tpu.memory_space<vmem>>) offsets(%dma_start3A_431 : memref<32xi32, #tpu.memory_space<vmem>>) semaphore(%dma_start3A_436 : memref<!tpu.dma_semaphore, #tpu.memory_space<semaphore_mem>>) {add = true}
    %dma_wait3A_437 = arith.constant 3 : i32
    %dma_wait3A_438 = arith.constant 7 : i32
    %dma_wait3A_439 = arith.constant 224 : i32
    %dma_wait3A_440 = arith.constant 0 : i32
    %dma_wait3A_441 = tpu.memref_slice %arg8[%dma_wait3A_439, %dma_wait3A_440] : memref<256x128xf32, #tpu.memory_space<vmem>> -> memref<32x128xf32, #tpu.memory_space<vmem>>
    %dma_wait3A_442 = arith.constant 32 : i32
    %dma_wait3A_443 = tpu.memref_slice %arg6[%dma_wait3A_437, %dma_wait3A_442] : memref<4x64xi32, #tpu.memory_space<vmem>> -> memref<1x32xi32, #tpu.memory_space<vmem>>
    %dma_wait3A_444 = tpu.memref_squeeze %dma_wait3A_443 : memref<1x32xi32, #tpu.memory_space<vmem>> -> memref<32xi32, #tpu.memory_space<vmem>>
    %dma_wait3A_445 = arith.constant 0 : i32
    %dma_wait3A_446 = arith.constant 0 : i32
    %dma_wait3A_447 = tpu.memref_slice %arg3[%dma_wait3A_445, %dma_wait3A_446] : memref<1000000x128xf32, #tpu.memory_space<hbm>> -> memref<1000000x128xf32, #tpu.memory_space<hbm>>
    %dma_wait3A_448 = tpu.memref_slice %arg12[%dma_wait3A_438] : memref<8x!tpu.dma_semaphore, #tpu.memory_space<semaphore_mem>> -> memref<1x!tpu.dma_semaphore, #tpu.memory_space<semaphore_mem>>
    %dma_wait3A_449 = tpu.memref_squeeze %dma_wait3A_448 : memref<1x!tpu.dma_semaphore, #tpu.memory_space<semaphore_mem>> -> memref<!tpu.dma_semaphore, #tpu.memory_space<semaphore_mem>>
    tpu.wait_indirect_dma semaphore(%dma_wait3A_449 : memref<!tpu.dma_semaphore, #tpu.memory_space<semaphore_mem>>) src(%dma_wait3A_447 : memref<1000000x128xf32, #tpu.memory_space<hbm>>) dst(%dma_wait3A_441 : memref<32x128xf32, #tpu.memory_space<vmem>>)
    %dma_start3A_450 = arith.constant 7 : i32
    %dma_start3A_451 = arith.constant 224 : i32
    %dma_start3A_452 = arith.constant 0 : i32
    %dma_start3A_453 = tpu.memref_slice %arg8[%dma_start3A_451, %dma_start3A_452] : memref<256x128xf32, #tpu.memory_space<vmem>> -> memref<32x128xf32, #tpu.memory_space<vmem>>
    %dma_start3A_454 = arith.constant 32 : i32
    %dma_start3A_455 = tpu.memref_slice %arg7[%dma_start3A_454] : memref<64xi32, #tpu.memory_space<vmem>> -> memref<32xi32, #tpu.memory_space<vmem>>
    %dma_start3A_456 = arith.constant 0 : i32
    %dma_start3A_457 = arith.constant 0 : i32
    %dma_start3A_458 = tpu.memref_slice %arg9[%dma_start3A_456, %dma_start3A_457] : memref<1024x128xf32, #tpu.memory_space<vmem_shared>> -> memref<1024x128xf32, #tpu.memory_space<vmem_shared>>
    %dma_start3A_459 = tpu.memref_slice %arg13[%dma_start3A_450] : memref<8x!tpu.dma_semaphore, #tpu.memory_space<semaphore_mem>> -> memref<1x!tpu.dma_semaphore, #tpu.memory_space<semaphore_mem>>
    %dma_start3A_460 = tpu.memref_squeeze %dma_start3A_459 : memref<1x!tpu.dma_semaphore, #tpu.memory_space<semaphore_mem>> -> memref<!tpu.dma_semaphore, #tpu.memory_space<semaphore_mem>>
    tpu.enqueue_indirect_dma source(%dma_start3A_458 : memref<1024x128xf32, #tpu.memory_space<vmem_shared>>) target(%dma_start3A_453 : memref<32x128xf32, #tpu.memory_space<vmem>>) offsets(%dma_start3A_455 : memref<32xi32, #tpu.memory_space<vmem>>) semaphore(%dma_start3A_460 : memref<!tpu.dma_semaphore, #tpu.memory_space<semaphore_mem>>) {add = true}
    %dma_wait3A_461 = arith.constant 0 : i32
    %dma_wait3A_462 = arith.constant 0 : i32
    %dma_wait3A_463 = arith.constant 0 : i32
    %dma_wait3A_464 = tpu.memref_slice %arg8[%dma_wait3A_462, %dma_wait3A_463] : memref<256x128xf32, #tpu.memory_space<vmem>> -> memref<32x128xf32, #tpu.memory_space<vmem>>
    %dma_wait3A_465 = arith.constant 0 : i32
    %dma_wait3A_466 = tpu.memref_slice %arg7[%dma_wait3A_465] : memref<64xi32, #tpu.memory_space<vmem>> -> memref<32xi32, #tpu.memory_space<vmem>>
    %dma_wait3A_467 = arith.constant 0 : i32
    %dma_wait3A_468 = arith.constant 0 : i32
    %dma_wait3A_469 = tpu.memref_slice %arg9[%dma_wait3A_467, %dma_wait3A_468] : memref<1024x128xf32, #tpu.memory_space<vmem_shared>> -> memref<1024x128xf32, #tpu.memory_space<vmem_shared>>
    %dma_wait3A_470 = tpu.memref_slice %arg13[%dma_wait3A_461] : memref<8x!tpu.dma_semaphore, #tpu.memory_space<semaphore_mem>> -> memref<1x!tpu.dma_semaphore, #tpu.memory_space<semaphore_mem>>
    %dma_wait3A_471 = tpu.memref_squeeze %dma_wait3A_470 : memref<1x!tpu.dma_semaphore, #tpu.memory_space<semaphore_mem>> -> memref<!tpu.dma_semaphore, #tpu.memory_space<semaphore_mem>>
    tpu.wait_indirect_dma semaphore(%dma_wait3A_471 : memref<!tpu.dma_semaphore, #tpu.memory_space<semaphore_mem>>) src(%dma_wait3A_469 : memref<1024x128xf32, #tpu.memory_space<vmem_shared>>) dst(%dma_wait3A_464 : memref<32x128xf32, #tpu.memory_space<vmem>>)
    %add3A_472 = arith.constant 0 : i32
    %add3A_473 = arith.addi %add3A_472, %mul3A_2 : i32
    %add3A_474 = arith.constant 0 : i32
    %add3A_475 = arith.addi %add3A_473, %add3A_474 : i32
    %dma_start3A_476 = arith.constant 0 : i32
    %dma_start3A_477 = arith.constant 0 : i32
    %dma_start3A_478 = arith.constant 0 : i32
    %dma_start3A_479 = tpu.memref_slice %arg8[%dma_start3A_477, %dma_start3A_478] : memref<256x128xf32, #tpu.memory_space<vmem>> -> memref<32x128xf32, #tpu.memory_space<vmem>>
    %dma_start3A_480 = arith.constant 0 : i32
    %dma_start3A_481 = tpu.memref_slice %arg5[%add3A_475, %dma_start3A_480] : memref<8192x128xf32, #tpu.memory_space<hbm>> -> memref<32x128xf32, #tpu.memory_space<hbm>>
    %dma_start3A_482 = tpu.memref_slice %arg14[%dma_start3A_476] : memref<8x!tpu.dma_semaphore, #tpu.memory_space<semaphore_mem>> -> memref<1x!tpu.dma_semaphore, #tpu.memory_space<semaphore_mem>>
    %dma_start3A_483 = tpu.memref_squeeze %dma_start3A_482 : memref<1x!tpu.dma_semaphore, #tpu.memory_space<semaphore_mem>> -> memref<!tpu.dma_semaphore, #tpu.memory_space<semaphore_mem>>
    %dma_start3A_484 = arith.constant 0 : i32
    %dma_start3A_485 = tpu.memref_slice %arg5[%add3A_475, %dma_start3A_484] : memref<8192x128xf32, #tpu.memory_space<hbm>> -> memref<32x128xf32, #tpu.memory_space<hbm>>
    %dma_start3A_486 = arith.constant 0 : i32
    %dma_start3A_487 = arith.constant 0 : i32
    %dma_start3A_488 = tpu.memref_slice %arg8[%dma_start3A_486, %dma_start3A_487] : memref<256x128xf32, #tpu.memory_space<vmem>> -> memref<32x128xf32, #tpu.memory_space<vmem>>
    tpu.enqueue_dma source(%dma_start3A_488 : memref<32x128xf32, #tpu.memory_space<vmem>>) target(%dma_start3A_485 : memref<32x128xf32, #tpu.memory_space<hbm>>) target_semaphore(%dma_start3A_483 : memref<!tpu.dma_semaphore, #tpu.memory_space<semaphore_mem>>)
    %dma_wait3A_489 = arith.constant 1 : i32
    %dma_wait3A_490 = arith.constant 32 : i32
    %dma_wait3A_491 = arith.constant 0 : i32
    %dma_wait3A_492 = tpu.memref_slice %arg8[%dma_wait3A_490, %dma_wait3A_491] : memref<256x128xf32, #tpu.memory_space<vmem>> -> memref<32x128xf32, #tpu.memory_space<vmem>>
    %dma_wait3A_493 = arith.constant 32 : i32
    %dma_wait3A_494 = tpu.memref_slice %arg7[%dma_wait3A_493] : memref<64xi32, #tpu.memory_space<vmem>> -> memref<32xi32, #tpu.memory_space<vmem>>
    %dma_wait3A_495 = arith.constant 0 : i32
    %dma_wait3A_496 = arith.constant 0 : i32
    %dma_wait3A_497 = tpu.memref_slice %arg9[%dma_wait3A_495, %dma_wait3A_496] : memref<1024x128xf32, #tpu.memory_space<vmem_shared>> -> memref<1024x128xf32, #tpu.memory_space<vmem_shared>>
    %dma_wait3A_498 = tpu.memref_slice %arg13[%dma_wait3A_489] : memref<8x!tpu.dma_semaphore, #tpu.memory_space<semaphore_mem>> -> memref<1x!tpu.dma_semaphore, #tpu.memory_space<semaphore_mem>>
    %dma_wait3A_499 = tpu.memref_squeeze %dma_wait3A_498 : memref<1x!tpu.dma_semaphore, #tpu.memory_space<semaphore_mem>> -> memref<!tpu.dma_semaphore, #tpu.memory_space<semaphore_mem>>
    tpu.wait_indirect_dma semaphore(%dma_wait3A_499 : memref<!tpu.dma_semaphore, #tpu.memory_space<semaphore_mem>>) src(%dma_wait3A_497 : memref<1024x128xf32, #tpu.memory_space<vmem_shared>>) dst(%dma_wait3A_492 : memref<32x128xf32, #tpu.memory_space<vmem>>)
    %add3A_500 = arith.constant 0 : i32
    %add3A_501 = arith.addi %add3A_500, %mul3A_2 : i32
    %add3A_502 = arith.constant 32 : i32
    %add3A_503 = arith.addi %add3A_501, %add3A_502 : i32
    %dma_start3A_504 = arith.constant 1 : i32
    %dma_start3A_505 = arith.constant 32 : i32
    %dma_start3A_506 = arith.constant 0 : i32
    %dma_start3A_507 = tpu.memref_slice %arg8[%dma_start3A_505, %dma_start3A_506] : memref<256x128xf32, #tpu.memory_space<vmem>> -> memref<32x128xf32, #tpu.memory_space<vmem>>
    %dma_start3A_508 = arith.constant 0 : i32
    %dma_start3A_509 = tpu.memref_slice %arg5[%add3A_503, %dma_start3A_508] : memref<8192x128xf32, #tpu.memory_space<hbm>> -> memref<32x128xf32, #tpu.memory_space<hbm>>
    %dma_start3A_510 = tpu.memref_slice %arg14[%dma_start3A_504] : memref<8x!tpu.dma_semaphore, #tpu.memory_space<semaphore_mem>> -> memref<1x!tpu.dma_semaphore, #tpu.memory_space<semaphore_mem>>
    %dma_start3A_511 = tpu.memref_squeeze %dma_start3A_510 : memref<1x!tpu.dma_semaphore, #tpu.memory_space<semaphore_mem>> -> memref<!tpu.dma_semaphore, #tpu.memory_space<semaphore_mem>>
    %dma_start3A_512 = arith.constant 0 : i32
    %dma_start3A_513 = tpu.memref_slice %arg5[%add3A_503, %dma_start3A_512] : memref<8192x128xf32, #tpu.memory_space<hbm>> -> memref<32x128xf32, #tpu.memory_space<hbm>>
    %dma_start3A_514 = arith.constant 32 : i32
    %dma_start3A_515 = arith.constant 0 : i32
    %dma_start3A_516 = tpu.memref_slice %arg8[%dma_start3A_514, %dma_start3A_515] : memref<256x128xf32, #tpu.memory_space<vmem>> -> memref<32x128xf32, #tpu.memory_space<vmem>>
    tpu.enqueue_dma source(%dma_start3A_516 : memref<32x128xf32, #tpu.memory_space<vmem>>) target(%dma_start3A_513 : memref<32x128xf32, #tpu.memory_space<hbm>>) target_semaphore(%dma_start3A_511 : memref<!tpu.dma_semaphore, #tpu.memory_space<semaphore_mem>>)
    %dma_wait3A_517 = arith.constant 2 : i32
    %dma_wait3A_518 = arith.constant 64 : i32
    %dma_wait3A_519 = arith.constant 0 : i32
    %dma_wait3A_520 = tpu.memref_slice %arg8[%dma_wait3A_518, %dma_wait3A_519] : memref<256x128xf32, #tpu.memory_space<vmem>> -> memref<32x128xf32, #tpu.memory_space<vmem>>
    %dma_wait3A_521 = arith.constant 0 : i32
    %dma_wait3A_522 = tpu.memref_slice %arg7[%dma_wait3A_521] : memref<64xi32, #tpu.memory_space<vmem>> -> memref<32xi32, #tpu.memory_space<vmem>>
    %dma_wait3A_523 = arith.constant 0 : i32
    %dma_wait3A_524 = arith.constant 0 : i32
    %dma_wait3A_525 = tpu.memref_slice %arg9[%dma_wait3A_523, %dma_wait3A_524] : memref<1024x128xf32, #tpu.memory_space<vmem_shared>> -> memref<1024x128xf32, #tpu.memory_space<vmem_shared>>
    %dma_wait3A_526 = tpu.memref_slice %arg13[%dma_wait3A_517] : memref<8x!tpu.dma_semaphore, #tpu.memory_space<semaphore_mem>> -> memref<1x!tpu.dma_semaphore, #tpu.memory_space<semaphore_mem>>
    %dma_wait3A_527 = tpu.memref_squeeze %dma_wait3A_526 : memref<1x!tpu.dma_semaphore, #tpu.memory_space<semaphore_mem>> -> memref<!tpu.dma_semaphore, #tpu.memory_space<semaphore_mem>>
    tpu.wait_indirect_dma semaphore(%dma_wait3A_527 : memref<!tpu.dma_semaphore, #tpu.memory_space<semaphore_mem>>) src(%dma_wait3A_525 : memref<1024x128xf32, #tpu.memory_space<vmem_shared>>) dst(%dma_wait3A_520 : memref<32x128xf32, #tpu.memory_space<vmem>>)
    %add3A_528 = arith.constant 2048 : i32
    %add3A_529 = arith.addi %add3A_528, %mul3A_2 : i32
    %add3A_530 = arith.constant 0 : i32
    %add3A_531 = arith.addi %add3A_529, %add3A_530 : i32
    %dma_start3A_532 = arith.constant 2 : i32
    %dma_start3A_533 = arith.constant 64 : i32
    %dma_start3A_534 = arith.constant 0 : i32
    %dma_start3A_535 = tpu.memref_slice %arg8[%dma_start3A_533, %dma_start3A_534] : memref<256x128xf32, #tpu.memory_space<vmem>> -> memref<32x128xf32, #tpu.memory_space<vmem>>
    %dma_start3A_536 = arith.constant 0 : i32
    %dma_start3A_537 = tpu.memref_slice %arg5[%add3A_531, %dma_start3A_536] : memref<8192x128xf32, #tpu.memory_space<hbm>> -> memref<32x128xf32, #tpu.memory_space<hbm>>
    %dma_start3A_538 = tpu.memref_slice %arg14[%dma_start3A_532] : memref<8x!tpu.dma_semaphore, #tpu.memory_space<semaphore_mem>> -> memref<1x!tpu.dma_semaphore, #tpu.memory_space<semaphore_mem>>
    %dma_start3A_539 = tpu.memref_squeeze %dma_start3A_538 : memref<1x!tpu.dma_semaphore, #tpu.memory_space<semaphore_mem>> -> memref<!tpu.dma_semaphore, #tpu.memory_space<semaphore_mem>>
    %dma_start3A_540 = arith.constant 0 : i32
    %dma_start3A_541 = tpu.memref_slice %arg5[%add3A_531, %dma_start3A_540] : memref<8192x128xf32, #tpu.memory_space<hbm>> -> memref<32x128xf32, #tpu.memory_space<hbm>>
    %dma_start3A_542 = arith.constant 64 : i32
    %dma_start3A_543 = arith.constant 0 : i32
    %dma_start3A_544 = tpu.memref_slice %arg8[%dma_start3A_542, %dma_start3A_543] : memref<256x128xf32, #tpu.memory_space<vmem>> -> memref<32x128xf32, #tpu.memory_space<vmem>>
    tpu.enqueue_dma source(%dma_start3A_544 : memref<32x128xf32, #tpu.memory_space<vmem>>) target(%dma_start3A_541 : memref<32x128xf32, #tpu.memory_space<hbm>>) target_semaphore(%dma_start3A_539 : memref<!tpu.dma_semaphore, #tpu.memory_space<semaphore_mem>>)
    %dma_wait3A_545 = arith.constant 3 : i32
    %dma_wait3A_546 = arith.constant 96 : i32
    %dma_wait3A_547 = arith.constant 0 : i32
    %dma_wait3A_548 = tpu.memref_slice %arg8[%dma_wait3A_546, %dma_wait3A_547] : memref<256x128xf32, #tpu.memory_space<vmem>> -> memref<32x128xf32, #tpu.memory_space<vmem>>
    %dma_wait3A_549 = arith.constant 32 : i32
    %dma_wait3A_550 = tpu.memref_slice %arg7[%dma_wait3A_549] : memref<64xi32, #tpu.memory_space<vmem>> -> memref<32xi32, #tpu.memory_space<vmem>>
    %dma_wait3A_551 = arith.constant 0 : i32
    %dma_wait3A_552 = arith.constant 0 : i32
    %dma_wait3A_553 = tpu.memref_slice %arg9[%dma_wait3A_551, %dma_wait3A_552] : memref<1024x128xf32, #tpu.memory_space<vmem_shared>> -> memref<1024x128xf32, #tpu.memory_space<vmem_shared>>
    %dma_wait3A_554 = tpu.memref_slice %arg13[%dma_wait3A_545] : memref<8x!tpu.dma_semaphore, #tpu.memory_space<semaphore_mem>> -> memref<1x!tpu.dma_semaphore, #tpu.memory_space<semaphore_mem>>
    %dma_wait3A_555 = tpu.memref_squeeze %dma_wait3A_554 : memref<1x!tpu.dma_semaphore, #tpu.memory_space<semaphore_mem>> -> memref<!tpu.dma_semaphore, #tpu.memory_space<semaphore_mem>>
    tpu.wait_indirect_dma semaphore(%dma_wait3A_555 : memref<!tpu.dma_semaphore, #tpu.memory_space<semaphore_mem>>) src(%dma_wait3A_553 : memref<1024x128xf32, #tpu.memory_space<vmem_shared>>) dst(%dma_wait3A_548 : memref<32x128xf32, #tpu.memory_space<vmem>>)
    %add3A_556 = arith.constant 2048 : i32
    %add3A_557 = arith.addi %add3A_556, %mul3A_2 : i32
    %add3A_558 = arith.constant 32 : i32
    %add3A_559 = arith.addi %add3A_557, %add3A_558 : i32
    %dma_start3A_560 = arith.constant 3 : i32
    %dma_start3A_561 = arith.constant 96 : i32
    %dma_start3A_562 = arith.constant 0 : i32
    %dma_start3A_563 = tpu.memref_slice %arg8[%dma_start3A_561, %dma_start3A_562] : memref<256x128xf32, #tpu.memory_space<vmem>> -> memref<32x128xf32, #tpu.memory_space<vmem>>
    %dma_start3A_564 = arith.constant 0 : i32
    %dma_start3A_565 = tpu.memref_slice %arg5[%add3A_559, %dma_start3A_564] : memref<8192x128xf32, #tpu.memory_space<hbm>> -> memref<32x128xf32, #tpu.memory_space<hbm>>
    %dma_start3A_566 = tpu.memref_slice %arg14[%dma_start3A_560] : memref<8x!tpu.dma_semaphore, #tpu.memory_space<semaphore_mem>> -> memref<1x!tpu.dma_semaphore, #tpu.memory_space<semaphore_mem>>
    %dma_start3A_567 = tpu.memref_squeeze %dma_start3A_566 : memref<1x!tpu.dma_semaphore, #tpu.memory_space<semaphore_mem>> -> memref<!tpu.dma_semaphore, #tpu.memory_space<semaphore_mem>>
    %dma_start3A_568 = arith.constant 0 : i32
    %dma_start3A_569 = tpu.memref_slice %arg5[%add3A_559, %dma_start3A_568] : memref<8192x128xf32, #tpu.memory_space<hbm>> -> memref<32x128xf32, #tpu.memory_space<hbm>>
    %dma_start3A_570 = arith.constant 96 : i32
    %dma_start3A_571 = arith.constant 0 : i32
    %dma_start3A_572 = tpu.memref_slice %arg8[%dma_start3A_570, %dma_start3A_571] : memref<256x128xf32, #tpu.memory_space<vmem>> -> memref<32x128xf32, #tpu.memory_space<vmem>>
    tpu.enqueue_dma source(%dma_start3A_572 : memref<32x128xf32, #tpu.memory_space<vmem>>) target(%dma_start3A_569 : memref<32x128xf32, #tpu.memory_space<hbm>>) target_semaphore(%dma_start3A_567 : memref<!tpu.dma_semaphore, #tpu.memory_space<semaphore_mem>>)
    %dma_wait3A_573 = arith.constant 4 : i32
    %dma_wait3A_574 = arith.constant 128 : i32
    %dma_wait3A_575 = arith.constant 0 : i32
    %dma_wait3A_576 = tpu.memref_slice %arg8[%dma_wait3A_574, %dma_wait3A_575] : memref<256x128xf32, #tpu.memory_space<vmem>> -> memref<32x128xf32, #tpu.memory_space<vmem>>
    %dma_wait3A_577 = arith.constant 0 : i32
    %dma_wait3A_578 = tpu.memref_slice %arg7[%dma_wait3A_577] : memref<64xi32, #tpu.memory_space<vmem>> -> memref<32xi32, #tpu.memory_space<vmem>>
    %dma_wait3A_579 = arith.constant 0 : i32
    %dma_wait3A_580 = arith.constant 0 : i32
    %dma_wait3A_581 = tpu.memref_slice %arg9[%dma_wait3A_579, %dma_wait3A_580] : memref<1024x128xf32, #tpu.memory_space<vmem_shared>> -> memref<1024x128xf32, #tpu.memory_space<vmem_shared>>
    %dma_wait3A_582 = tpu.memref_slice %arg13[%dma_wait3A_573] : memref<8x!tpu.dma_semaphore, #tpu.memory_space<semaphore_mem>> -> memref<1x!tpu.dma_semaphore, #tpu.memory_space<semaphore_mem>>
    %dma_wait3A_583 = tpu.memref_squeeze %dma_wait3A_582 : memref<1x!tpu.dma_semaphore, #tpu.memory_space<semaphore_mem>> -> memref<!tpu.dma_semaphore, #tpu.memory_space<semaphore_mem>>
    tpu.wait_indirect_dma semaphore(%dma_wait3A_583 : memref<!tpu.dma_semaphore, #tpu.memory_space<semaphore_mem>>) src(%dma_wait3A_581 : memref<1024x128xf32, #tpu.memory_space<vmem_shared>>) dst(%dma_wait3A_576 : memref<32x128xf32, #tpu.memory_space<vmem>>)
    %add3A_584 = arith.constant 4096 : i32
    %add3A_585 = arith.addi %add3A_584, %mul3A_2 : i32
    %add3A_586 = arith.constant 0 : i32
    %add3A_587 = arith.addi %add3A_585, %add3A_586 : i32
    %dma_start3A_588 = arith.constant 4 : i32
    %dma_start3A_589 = arith.constant 128 : i32
    %dma_start3A_590 = arith.constant 0 : i32
    %dma_start3A_591 = tpu.memref_slice %arg8[%dma_start3A_589, %dma_start3A_590] : memref<256x128xf32, #tpu.memory_space<vmem>> -> memref<32x128xf32, #tpu.memory_space<vmem>>
    %dma_start3A_592 = arith.constant 0 : i32
    %dma_start3A_593 = tpu.memref_slice %arg5[%add3A_587, %dma_start3A_592] : memref<8192x128xf32, #tpu.memory_space<hbm>> -> memref<32x128xf32, #tpu.memory_space<hbm>>
    %dma_start3A_594 = tpu.memref_slice %arg14[%dma_start3A_588] : memref<8x!tpu.dma_semaphore, #tpu.memory_space<semaphore_mem>> -> memref<1x!tpu.dma_semaphore, #tpu.memory_space<semaphore_mem>>
    %dma_start3A_595 = tpu.memref_squeeze %dma_start3A_594 : memref<1x!tpu.dma_semaphore, #tpu.memory_space<semaphore_mem>> -> memref<!tpu.dma_semaphore, #tpu.memory_space<semaphore_mem>>
    %dma_start3A_596 = arith.constant 0 : i32
    %dma_start3A_597 = tpu.memref_slice %arg5[%add3A_587, %dma_start3A_596] : memref<8192x128xf32, #tpu.memory_space<hbm>> -> memref<32x128xf32, #tpu.memory_space<hbm>>
    %dma_start3A_598 = arith.constant 128 : i32
    %dma_start3A_599 = arith.constant 0 : i32
    %dma_start3A_600 = tpu.memref_slice %arg8[%dma_start3A_598, %dma_start3A_599] : memref<256x128xf32, #tpu.memory_space<vmem>> -> memref<32x128xf32, #tpu.memory_space<vmem>>
    tpu.enqueue_dma source(%dma_start3A_600 : memref<32x128xf32, #tpu.memory_space<vmem>>) target(%dma_start3A_597 : memref<32x128xf32, #tpu.memory_space<hbm>>) target_semaphore(%dma_start3A_595 : memref<!tpu.dma_semaphore, #tpu.memory_space<semaphore_mem>>)
    %dma_wait3A_601 = arith.constant 5 : i32
    %dma_wait3A_602 = arith.constant 160 : i32
    %dma_wait3A_603 = arith.constant 0 : i32
    %dma_wait3A_604 = tpu.memref_slice %arg8[%dma_wait3A_602, %dma_wait3A_603] : memref<256x128xf32, #tpu.memory_space<vmem>> -> memref<32x128xf32, #tpu.memory_space<vmem>>
    %dma_wait3A_605 = arith.constant 32 : i32
    %dma_wait3A_606 = tpu.memref_slice %arg7[%dma_wait3A_605] : memref<64xi32, #tpu.memory_space<vmem>> -> memref<32xi32, #tpu.memory_space<vmem>>
    %dma_wait3A_607 = arith.constant 0 : i32
    %dma_wait3A_608 = arith.constant 0 : i32
    %dma_wait3A_609 = tpu.memref_slice %arg9[%dma_wait3A_607, %dma_wait3A_608] : memref<1024x128xf32, #tpu.memory_space<vmem_shared>> -> memref<1024x128xf32, #tpu.memory_space<vmem_shared>>
    %dma_wait3A_610 = tpu.memref_slice %arg13[%dma_wait3A_601] : memref<8x!tpu.dma_semaphore, #tpu.memory_space<semaphore_mem>> -> memref<1x!tpu.dma_semaphore, #tpu.memory_space<semaphore_mem>>
    %dma_wait3A_611 = tpu.memref_squeeze %dma_wait3A_610 : memref<1x!tpu.dma_semaphore, #tpu.memory_space<semaphore_mem>> -> memref<!tpu.dma_semaphore, #tpu.memory_space<semaphore_mem>>
    tpu.wait_indirect_dma semaphore(%dma_wait3A_611 : memref<!tpu.dma_semaphore, #tpu.memory_space<semaphore_mem>>) src(%dma_wait3A_609 : memref<1024x128xf32, #tpu.memory_space<vmem_shared>>) dst(%dma_wait3A_604 : memref<32x128xf32, #tpu.memory_space<vmem>>)
    %add3A_612 = arith.constant 4096 : i32
    %add3A_613 = arith.addi %add3A_612, %mul3A_2 : i32
    %add3A_614 = arith.constant 32 : i32
    %add3A_615 = arith.addi %add3A_613, %add3A_614 : i32
    %dma_start3A_616 = arith.constant 5 : i32
    %dma_start3A_617 = arith.constant 160 : i32
    %dma_start3A_618 = arith.constant 0 : i32
    %dma_start3A_619 = tpu.memref_slice %arg8[%dma_start3A_617, %dma_start3A_618] : memref<256x128xf32, #tpu.memory_space<vmem>> -> memref<32x128xf32, #tpu.memory_space<vmem>>
    %dma_start3A_620 = arith.constant 0 : i32
    %dma_start3A_621 = tpu.memref_slice %arg5[%add3A_615, %dma_start3A_620] : memref<8192x128xf32, #tpu.memory_space<hbm>> -> memref<32x128xf32, #tpu.memory_space<hbm>>
    %dma_start3A_622 = tpu.memref_slice %arg14[%dma_start3A_616] : memref<8x!tpu.dma_semaphore, #tpu.memory_space<semaphore_mem>> -> memref<1x!tpu.dma_semaphore, #tpu.memory_space<semaphore_mem>>
    %dma_start3A_623 = tpu.memref_squeeze %dma_start3A_622 : memref<1x!tpu.dma_semaphore, #tpu.memory_space<semaphore_mem>> -> memref<!tpu.dma_semaphore, #tpu.memory_space<semaphore_mem>>
    %dma_start3A_624 = arith.constant 0 : i32
    %dma_start3A_625 = tpu.memref_slice %arg5[%add3A_615, %dma_start3A_624] : memref<8192x128xf32, #tpu.memory_space<hbm>> -> memref<32x128xf32, #tpu.memory_space<hbm>>
    %dma_start3A_626 = arith.constant 160 : i32
    %dma_start3A_627 = arith.constant 0 : i32
    %dma_start3A_628 = tpu.memref_slice %arg8[%dma_start3A_626, %dma_start3A_627] : memref<256x128xf32, #tpu.memory_space<vmem>> -> memref<32x128xf32, #tpu.memory_space<vmem>>
    tpu.enqueue_dma source(%dma_start3A_628 : memref<32x128xf32, #tpu.memory_space<vmem>>) target(%dma_start3A_625 : memref<32x128xf32, #tpu.memory_space<hbm>>) target_semaphore(%dma_start3A_623 : memref<!tpu.dma_semaphore, #tpu.memory_space<semaphore_mem>>)
    %dma_wait3A_629 = arith.constant 6 : i32
    %dma_wait3A_630 = arith.constant 192 : i32
    %dma_wait3A_631 = arith.constant 0 : i32
    %dma_wait3A_632 = tpu.memref_slice %arg8[%dma_wait3A_630, %dma_wait3A_631] : memref<256x128xf32, #tpu.memory_space<vmem>> -> memref<32x128xf32, #tpu.memory_space<vmem>>
    %dma_wait3A_633 = arith.constant 0 : i32
    %dma_wait3A_634 = tpu.memref_slice %arg7[%dma_wait3A_633] : memref<64xi32, #tpu.memory_space<vmem>> -> memref<32xi32, #tpu.memory_space<vmem>>
    %dma_wait3A_635 = arith.constant 0 : i32
    %dma_wait3A_636 = arith.constant 0 : i32
    %dma_wait3A_637 = tpu.memref_slice %arg9[%dma_wait3A_635, %dma_wait3A_636] : memref<1024x128xf32, #tpu.memory_space<vmem_shared>> -> memref<1024x128xf32, #tpu.memory_space<vmem_shared>>
    %dma_wait3A_638 = tpu.memref_slice %arg13[%dma_wait3A_629] : memref<8x!tpu.dma_semaphore, #tpu.memory_space<semaphore_mem>> -> memref<1x!tpu.dma_semaphore, #tpu.memory_space<semaphore_mem>>
    %dma_wait3A_639 = tpu.memref_squeeze %dma_wait3A_638 : memref<1x!tpu.dma_semaphore, #tpu.memory_space<semaphore_mem>> -> memref<!tpu.dma_semaphore, #tpu.memory_space<semaphore_mem>>
    tpu.wait_indirect_dma semaphore(%dma_wait3A_639 : memref<!tpu.dma_semaphore, #tpu.memory_space<semaphore_mem>>) src(%dma_wait3A_637 : memref<1024x128xf32, #tpu.memory_space<vmem_shared>>) dst(%dma_wait3A_632 : memref<32x128xf32, #tpu.memory_space<vmem>>)
    %add3A_640 = arith.constant 6144 : i32
    %add3A_641 = arith.addi %add3A_640, %mul3A_2 : i32
    %add3A_642 = arith.constant 0 : i32
    %add3A_643 = arith.addi %add3A_641, %add3A_642 : i32
    %dma_start3A_644 = arith.constant 6 : i32
    %dma_start3A_645 = arith.constant 192 : i32
    %dma_start3A_646 = arith.constant 0 : i32
    %dma_start3A_647 = tpu.memref_slice %arg8[%dma_start3A_645, %dma_start3A_646] : memref<256x128xf32, #tpu.memory_space<vmem>> -> memref<32x128xf32, #tpu.memory_space<vmem>>
    %dma_start3A_648 = arith.constant 0 : i32
    %dma_start3A_649 = tpu.memref_slice %arg5[%add3A_643, %dma_start3A_648] : memref<8192x128xf32, #tpu.memory_space<hbm>> -> memref<32x128xf32, #tpu.memory_space<hbm>>
    %dma_start3A_650 = tpu.memref_slice %arg14[%dma_start3A_644] : memref<8x!tpu.dma_semaphore, #tpu.memory_space<semaphore_mem>> -> memref<1x!tpu.dma_semaphore, #tpu.memory_space<semaphore_mem>>
    %dma_start3A_651 = tpu.memref_squeeze %dma_start3A_650 : memref<1x!tpu.dma_semaphore, #tpu.memory_space<semaphore_mem>> -> memref<!tpu.dma_semaphore, #tpu.memory_space<semaphore_mem>>
    %dma_start3A_652 = arith.constant 0 : i32
    %dma_start3A_653 = tpu.memref_slice %arg5[%add3A_643, %dma_start3A_652] : memref<8192x128xf32, #tpu.memory_space<hbm>> -> memref<32x128xf32, #tpu.memory_space<hbm>>
    %dma_start3A_654 = arith.constant 192 : i32
    %dma_start3A_655 = arith.constant 0 : i32
    %dma_start3A_656 = tpu.memref_slice %arg8[%dma_start3A_654, %dma_start3A_655] : memref<256x128xf32, #tpu.memory_space<vmem>> -> memref<32x128xf32, #tpu.memory_space<vmem>>
    tpu.enqueue_dma source(%dma_start3A_656 : memref<32x128xf32, #tpu.memory_space<vmem>>) target(%dma_start3A_653 : memref<32x128xf32, #tpu.memory_space<hbm>>) target_semaphore(%dma_start3A_651 : memref<!tpu.dma_semaphore, #tpu.memory_space<semaphore_mem>>)
    %dma_wait3A_657 = arith.constant 7 : i32
    %dma_wait3A_658 = arith.constant 224 : i32
    %dma_wait3A_659 = arith.constant 0 : i32
    %dma_wait3A_660 = tpu.memref_slice %arg8[%dma_wait3A_658, %dma_wait3A_659] : memref<256x128xf32, #tpu.memory_space<vmem>> -> memref<32x128xf32, #tpu.memory_space<vmem>>
    %dma_wait3A_661 = arith.constant 32 : i32
    %dma_wait3A_662 = tpu.memref_slice %arg7[%dma_wait3A_661] : memref<64xi32, #tpu.memory_space<vmem>> -> memref<32xi32, #tpu.memory_space<vmem>>
    %dma_wait3A_663 = arith.constant 0 : i32
    %dma_wait3A_664 = arith.constant 0 : i32
    %dma_wait3A_665 = tpu.memref_slice %arg9[%dma_wait3A_663, %dma_wait3A_664] : memref<1024x128xf32, #tpu.memory_space<vmem_shared>> -> memref<1024x128xf32, #tpu.memory_space<vmem_shared>>
    %dma_wait3A_666 = tpu.memref_slice %arg13[%dma_wait3A_657] : memref<8x!tpu.dma_semaphore, #tpu.memory_space<semaphore_mem>> -> memref<1x!tpu.dma_semaphore, #tpu.memory_space<semaphore_mem>>
    %dma_wait3A_667 = tpu.memref_squeeze %dma_wait3A_666 : memref<1x!tpu.dma_semaphore, #tpu.memory_space<semaphore_mem>> -> memref<!tpu.dma_semaphore, #tpu.memory_space<semaphore_mem>>
    tpu.wait_indirect_dma semaphore(%dma_wait3A_667 : memref<!tpu.dma_semaphore, #tpu.memory_space<semaphore_mem>>) src(%dma_wait3A_665 : memref<1024x128xf32, #tpu.memory_space<vmem_shared>>) dst(%dma_wait3A_660 : memref<32x128xf32, #tpu.memory_space<vmem>>)
    %add3A_668 = arith.constant 6144 : i32
    %add3A_669 = arith.addi %add3A_668, %mul3A_2 : i32
    %add3A_670 = arith.constant 32 : i32
    %add3A_671 = arith.addi %add3A_669, %add3A_670 : i32
    %dma_start3A_672 = arith.constant 7 : i32
    %dma_start3A_673 = arith.constant 224 : i32
    %dma_start3A_674 = arith.constant 0 : i32
    %dma_start3A_675 = tpu.memref_slice %arg8[%dma_start3A_673, %dma_start3A_674] : memref<256x128xf32, #tpu.memory_space<vmem>> -> memref<32x128xf32, #tpu.memory_space<vmem>>
    %dma_start3A_676 = arith.constant 0 : i32
    %dma_start3A_677 = tpu.memref_slice %arg5[%add3A_671, %dma_start3A_676] : memref<8192x128xf32, #tpu.memory_space<hbm>> -> memref<32x128xf32, #tpu.memory_space<hbm>>
    %dma_start3A_678 = tpu.memref_slice %arg14[%dma_start3A_672] : memref<8x!tpu.dma_semaphore, #tpu.memory_space<semaphore_mem>> -> memref<1x!tpu.dma_semaphore, #tpu.memory_space<semaphore_mem>>
    %dma_start3A_679 = tpu.memref_squeeze %dma_start3A_678 : memref<1x!tpu.dma_semaphore, #tpu.memory_space<semaphore_mem>> -> memref<!tpu.dma_semaphore, #tpu.memory_space<semaphore_mem>>
    %dma_start3A_680 = arith.constant 0 : i32
    %dma_start3A_681 = tpu.memref_slice %arg5[%add3A_671, %dma_start3A_680] : memref<8192x128xf32, #tpu.memory_space<hbm>> -> memref<32x128xf32, #tpu.memory_space<hbm>>
    %dma_start3A_682 = arith.constant 224 : i32
    %dma_start3A_683 = arith.constant 0 : i32
    %dma_start3A_684 = tpu.memref_slice %arg8[%dma_start3A_682, %dma_start3A_683] : memref<256x128xf32, #tpu.memory_space<vmem>> -> memref<32x128xf32, #tpu.memory_space<vmem>>
    tpu.enqueue_dma source(%dma_start3A_684 : memref<32x128xf32, #tpu.memory_space<vmem>>) target(%dma_start3A_681 : memref<32x128xf32, #tpu.memory_space<hbm>>) target_semaphore(%dma_start3A_679 : memref<!tpu.dma_semaphore, #tpu.memory_space<semaphore_mem>>)
    %dma_wait3A_685 = arith.constant 0 : i32
    %dma_wait3A_686 = arith.constant 0 : i32
    %dma_wait3A_687 = arith.constant 0 : i32
    %dma_wait3A_688 = tpu.memref_slice %arg8[%dma_wait3A_686, %dma_wait3A_687] : memref<256x128xf32, #tpu.memory_space<vmem>> -> memref<32x128xf32, #tpu.memory_space<vmem>>
    %dma_wait3A_689 = arith.constant 0 : i32
    %dma_wait3A_690 = tpu.memref_slice %arg5[%add3A_475, %dma_wait3A_689] : memref<8192x128xf32, #tpu.memory_space<hbm>> -> memref<32x128xf32, #tpu.memory_space<hbm>>
    %dma_wait3A_691 = tpu.memref_slice %arg14[%dma_wait3A_685] : memref<8x!tpu.dma_semaphore, #tpu.memory_space<semaphore_mem>> -> memref<1x!tpu.dma_semaphore, #tpu.memory_space<semaphore_mem>>
    %dma_wait3A_692 = tpu.memref_squeeze %dma_wait3A_691 : memref<1x!tpu.dma_semaphore, #tpu.memory_space<semaphore_mem>> -> memref<!tpu.dma_semaphore, #tpu.memory_space<semaphore_mem>>
    %dma_wait3A_693 = arith.constant 0 : i32
    %dma_wait3A_694 = tpu.memref_slice %arg5[%add3A_475, %dma_wait3A_693] : memref<8192x128xf32, #tpu.memory_space<hbm>> -> memref<32x128xf32, #tpu.memory_space<hbm>>
    %dma_wait3A_695 = arith.constant 0 : i32
    %dma_wait3A_696 = arith.constant 0 : i32
    %dma_wait3A_697 = tpu.memref_slice %arg8[%dma_wait3A_695, %dma_wait3A_696] : memref<256x128xf32, #tpu.memory_space<vmem>> -> memref<32x128xf32, #tpu.memory_space<vmem>>
    tpu.wait_dma2 semaphore(%dma_wait3A_692 : memref<!tpu.dma_semaphore, #tpu.memory_space<semaphore_mem>>) src(%dma_wait3A_697 : memref<32x128xf32, #tpu.memory_space<vmem>>) dst(%dma_wait3A_694 : memref<32x128xf32, #tpu.memory_space<hbm>>)
    %dma_wait3A_698 = arith.constant 1 : i32
    %dma_wait3A_699 = arith.constant 32 : i32
    %dma_wait3A_700 = arith.constant 0 : i32
    %dma_wait3A_701 = tpu.memref_slice %arg8[%dma_wait3A_699, %dma_wait3A_700] : memref<256x128xf32, #tpu.memory_space<vmem>> -> memref<32x128xf32, #tpu.memory_space<vmem>>
    %dma_wait3A_702 = arith.constant 0 : i32
    %dma_wait3A_703 = tpu.memref_slice %arg5[%add3A_503, %dma_wait3A_702] : memref<8192x128xf32, #tpu.memory_space<hbm>> -> memref<32x128xf32, #tpu.memory_space<hbm>>
    %dma_wait3A_704 = tpu.memref_slice %arg14[%dma_wait3A_698] : memref<8x!tpu.dma_semaphore, #tpu.memory_space<semaphore_mem>> -> memref<1x!tpu.dma_semaphore, #tpu.memory_space<semaphore_mem>>
    %dma_wait3A_705 = tpu.memref_squeeze %dma_wait3A_704 : memref<1x!tpu.dma_semaphore, #tpu.memory_space<semaphore_mem>> -> memref<!tpu.dma_semaphore, #tpu.memory_space<semaphore_mem>>
    %dma_wait3A_706 = arith.constant 0 : i32
    %dma_wait3A_707 = tpu.memref_slice %arg5[%add3A_503, %dma_wait3A_706] : memref<8192x128xf32, #tpu.memory_space<hbm>> -> memref<32x128xf32, #tpu.memory_space<hbm>>
    %dma_wait3A_708 = arith.constant 32 : i32
    %dma_wait3A_709 = arith.constant 0 : i32
    %dma_wait3A_710 = tpu.memref_slice %arg8[%dma_wait3A_708, %dma_wait3A_709] : memref<256x128xf32, #tpu.memory_space<vmem>> -> memref<32x128xf32, #tpu.memory_space<vmem>>
    tpu.wait_dma2 semaphore(%dma_wait3A_705 : memref<!tpu.dma_semaphore, #tpu.memory_space<semaphore_mem>>) src(%dma_wait3A_710 : memref<32x128xf32, #tpu.memory_space<vmem>>) dst(%dma_wait3A_707 : memref<32x128xf32, #tpu.memory_space<hbm>>)
    %dma_wait3A_711 = arith.constant 2 : i32
    %dma_wait3A_712 = arith.constant 64 : i32
    %dma_wait3A_713 = arith.constant 0 : i32
    %dma_wait3A_714 = tpu.memref_slice %arg8[%dma_wait3A_712, %dma_wait3A_713] : memref<256x128xf32, #tpu.memory_space<vmem>> -> memref<32x128xf32, #tpu.memory_space<vmem>>
    %dma_wait3A_715 = arith.constant 0 : i32
    %dma_wait3A_716 = tpu.memref_slice %arg5[%add3A_531, %dma_wait3A_715] : memref<8192x128xf32, #tpu.memory_space<hbm>> -> memref<32x128xf32, #tpu.memory_space<hbm>>
    %dma_wait3A_717 = tpu.memref_slice %arg14[%dma_wait3A_711] : memref<8x!tpu.dma_semaphore, #tpu.memory_space<semaphore_mem>> -> memref<1x!tpu.dma_semaphore, #tpu.memory_space<semaphore_mem>>
    %dma_wait3A_718 = tpu.memref_squeeze %dma_wait3A_717 : memref<1x!tpu.dma_semaphore, #tpu.memory_space<semaphore_mem>> -> memref<!tpu.dma_semaphore, #tpu.memory_space<semaphore_mem>>
    %dma_wait3A_719 = arith.constant 0 : i32
    %dma_wait3A_720 = tpu.memref_slice %arg5[%add3A_531, %dma_wait3A_719] : memref<8192x128xf32, #tpu.memory_space<hbm>> -> memref<32x128xf32, #tpu.memory_space<hbm>>
    %dma_wait3A_721 = arith.constant 64 : i32
    %dma_wait3A_722 = arith.constant 0 : i32
    %dma_wait3A_723 = tpu.memref_slice %arg8[%dma_wait3A_721, %dma_wait3A_722] : memref<256x128xf32, #tpu.memory_space<vmem>> -> memref<32x128xf32, #tpu.memory_space<vmem>>
    tpu.wait_dma2 semaphore(%dma_wait3A_718 : memref<!tpu.dma_semaphore, #tpu.memory_space<semaphore_mem>>) src(%dma_wait3A_723 : memref<32x128xf32, #tpu.memory_space<vmem>>) dst(%dma_wait3A_720 : memref<32x128xf32, #tpu.memory_space<hbm>>)
    %dma_wait3A_724 = arith.constant 3 : i32
    %dma_wait3A_725 = arith.constant 96 : i32
    %dma_wait3A_726 = arith.constant 0 : i32
    %dma_wait3A_727 = tpu.memref_slice %arg8[%dma_wait3A_725, %dma_wait3A_726] : memref<256x128xf32, #tpu.memory_space<vmem>> -> memref<32x128xf32, #tpu.memory_space<vmem>>
    %dma_wait3A_728 = arith.constant 0 : i32
    %dma_wait3A_729 = tpu.memref_slice %arg5[%add3A_559, %dma_wait3A_728] : memref<8192x128xf32, #tpu.memory_space<hbm>> -> memref<32x128xf32, #tpu.memory_space<hbm>>
    %dma_wait3A_730 = tpu.memref_slice %arg14[%dma_wait3A_724] : memref<8x!tpu.dma_semaphore, #tpu.memory_space<semaphore_mem>> -> memref<1x!tpu.dma_semaphore, #tpu.memory_space<semaphore_mem>>
    %dma_wait3A_731 = tpu.memref_squeeze %dma_wait3A_730 : memref<1x!tpu.dma_semaphore, #tpu.memory_space<semaphore_mem>> -> memref<!tpu.dma_semaphore, #tpu.memory_space<semaphore_mem>>
    %dma_wait3A_732 = arith.constant 0 : i32
    %dma_wait3A_733 = tpu.memref_slice %arg5[%add3A_559, %dma_wait3A_732] : memref<8192x128xf32, #tpu.memory_space<hbm>> -> memref<32x128xf32, #tpu.memory_space<hbm>>
    %dma_wait3A_734 = arith.constant 96 : i32
    %dma_wait3A_735 = arith.constant 0 : i32
    %dma_wait3A_736 = tpu.memref_slice %arg8[%dma_wait3A_734, %dma_wait3A_735] : memref<256x128xf32, #tpu.memory_space<vmem>> -> memref<32x128xf32, #tpu.memory_space<vmem>>
    tpu.wait_dma2 semaphore(%dma_wait3A_731 : memref<!tpu.dma_semaphore, #tpu.memory_space<semaphore_mem>>) src(%dma_wait3A_736 : memref<32x128xf32, #tpu.memory_space<vmem>>) dst(%dma_wait3A_733 : memref<32x128xf32, #tpu.memory_space<hbm>>)
    %dma_wait3A_737 = arith.constant 4 : i32
    %dma_wait3A_738 = arith.constant 128 : i32
    %dma_wait3A_739 = arith.constant 0 : i32
    %dma_wait3A_740 = tpu.memref_slice %arg8[%dma_wait3A_738, %dma_wait3A_739] : memref<256x128xf32, #tpu.memory_space<vmem>> -> memref<32x128xf32, #tpu.memory_space<vmem>>
    %dma_wait3A_741 = arith.constant 0 : i32
    %dma_wait3A_742 = tpu.memref_slice %arg5[%add3A_587, %dma_wait3A_741] : memref<8192x128xf32, #tpu.memory_space<hbm>> -> memref<32x128xf32, #tpu.memory_space<hbm>>
    %dma_wait3A_743 = tpu.memref_slice %arg14[%dma_wait3A_737] : memref<8x!tpu.dma_semaphore, #tpu.memory_space<semaphore_mem>> -> memref<1x!tpu.dma_semaphore, #tpu.memory_space<semaphore_mem>>
    %dma_wait3A_744 = tpu.memref_squeeze %dma_wait3A_743 : memref<1x!tpu.dma_semaphore, #tpu.memory_space<semaphore_mem>> -> memref<!tpu.dma_semaphore, #tpu.memory_space<semaphore_mem>>
    %dma_wait3A_745 = arith.constant 0 : i32
    %dma_wait3A_746 = tpu.memref_slice %arg5[%add3A_587, %dma_wait3A_745] : memref<8192x128xf32, #tpu.memory_space<hbm>> -> memref<32x128xf32, #tpu.memory_space<hbm>>
    %dma_wait3A_747 = arith.constant 128 : i32
    %dma_wait3A_748 = arith.constant 0 : i32
    %dma_wait3A_749 = tpu.memref_slice %arg8[%dma_wait3A_747, %dma_wait3A_748] : memref<256x128xf32, #tpu.memory_space<vmem>> -> memref<32x128xf32, #tpu.memory_space<vmem>>
    tpu.wait_dma2 semaphore(%dma_wait3A_744 : memref<!tpu.dma_semaphore, #tpu.memory_space<semaphore_mem>>) src(%dma_wait3A_749 : memref<32x128xf32, #tpu.memory_space<vmem>>) dst(%dma_wait3A_746 : memref<32x128xf32, #tpu.memory_space<hbm>>)
    %dma_wait3A_750 = arith.constant 5 : i32
    %dma_wait3A_751 = arith.constant 160 : i32
    %dma_wait3A_752 = arith.constant 0 : i32
    %dma_wait3A_753 = tpu.memref_slice %arg8[%dma_wait3A_751, %dma_wait3A_752] : memref<256x128xf32, #tpu.memory_space<vmem>> -> memref<32x128xf32, #tpu.memory_space<vmem>>
    %dma_wait3A_754 = arith.constant 0 : i32
    %dma_wait3A_755 = tpu.memref_slice %arg5[%add3A_615, %dma_wait3A_754] : memref<8192x128xf32, #tpu.memory_space<hbm>> -> memref<32x128xf32, #tpu.memory_space<hbm>>
    %dma_wait3A_756 = tpu.memref_slice %arg14[%dma_wait3A_750] : memref<8x!tpu.dma_semaphore, #tpu.memory_space<semaphore_mem>> -> memref<1x!tpu.dma_semaphore, #tpu.memory_space<semaphore_mem>>
    %dma_wait3A_757 = tpu.memref_squeeze %dma_wait3A_756 : memref<1x!tpu.dma_semaphore, #tpu.memory_space<semaphore_mem>> -> memref<!tpu.dma_semaphore, #tpu.memory_space<semaphore_mem>>
    %dma_wait3A_758 = arith.constant 0 : i32
    %dma_wait3A_759 = tpu.memref_slice %arg5[%add3A_615, %dma_wait3A_758] : memref<8192x128xf32, #tpu.memory_space<hbm>> -> memref<32x128xf32, #tpu.memory_space<hbm>>
    %dma_wait3A_760 = arith.constant 160 : i32
    %dma_wait3A_761 = arith.constant 0 : i32
    %dma_wait3A_762 = tpu.memref_slice %arg8[%dma_wait3A_760, %dma_wait3A_761] : memref<256x128xf32, #tpu.memory_space<vmem>> -> memref<32x128xf32, #tpu.memory_space<vmem>>
    tpu.wait_dma2 semaphore(%dma_wait3A_757 : memref<!tpu.dma_semaphore, #tpu.memory_space<semaphore_mem>>) src(%dma_wait3A_762 : memref<32x128xf32, #tpu.memory_space<vmem>>) dst(%dma_wait3A_759 : memref<32x128xf32, #tpu.memory_space<hbm>>)
    %dma_wait3A_763 = arith.constant 6 : i32
    %dma_wait3A_764 = arith.constant 192 : i32
    %dma_wait3A_765 = arith.constant 0 : i32
    %dma_wait3A_766 = tpu.memref_slice %arg8[%dma_wait3A_764, %dma_wait3A_765] : memref<256x128xf32, #tpu.memory_space<vmem>> -> memref<32x128xf32, #tpu.memory_space<vmem>>
    %dma_wait3A_767 = arith.constant 0 : i32
    %dma_wait3A_768 = tpu.memref_slice %arg5[%add3A_643, %dma_wait3A_767] : memref<8192x128xf32, #tpu.memory_space<hbm>> -> memref<32x128xf32, #tpu.memory_space<hbm>>
    %dma_wait3A_769 = tpu.memref_slice %arg14[%dma_wait3A_763] : memref<8x!tpu.dma_semaphore, #tpu.memory_space<semaphore_mem>> -> memref<1x!tpu.dma_semaphore, #tpu.memory_space<semaphore_mem>>
    %dma_wait3A_770 = tpu.memref_squeeze %dma_wait3A_769 : memref<1x!tpu.dma_semaphore, #tpu.memory_space<semaphore_mem>> -> memref<!tpu.dma_semaphore, #tpu.memory_space<semaphore_mem>>
    %dma_wait3A_771 = arith.constant 0 : i32
    %dma_wait3A_772 = tpu.memref_slice %arg5[%add3A_643, %dma_wait3A_771] : memref<8192x128xf32, #tpu.memory_space<hbm>> -> memref<32x128xf32, #tpu.memory_space<hbm>>
    %dma_wait3A_773 = arith.constant 192 : i32
    %dma_wait3A_774 = arith.constant 0 : i32
    %dma_wait3A_775 = tpu.memref_slice %arg8[%dma_wait3A_773, %dma_wait3A_774] : memref<256x128xf32, #tpu.memory_space<vmem>> -> memref<32x128xf32, #tpu.memory_space<vmem>>
    tpu.wait_dma2 semaphore(%dma_wait3A_770 : memref<!tpu.dma_semaphore, #tpu.memory_space<semaphore_mem>>) src(%dma_wait3A_775 : memref<32x128xf32, #tpu.memory_space<vmem>>) dst(%dma_wait3A_772 : memref<32x128xf32, #tpu.memory_space<hbm>>)
    %dma_wait3A_776 = arith.constant 7 : i32
    %dma_wait3A_777 = arith.constant 224 : i32
    %dma_wait3A_778 = arith.constant 0 : i32
    %dma_wait3A_779 = tpu.memref_slice %arg8[%dma_wait3A_777, %dma_wait3A_778] : memref<256x128xf32, #tpu.memory_space<vmem>> -> memref<32x128xf32, #tpu.memory_space<vmem>>
    %dma_wait3A_780 = arith.constant 0 : i32
    %dma_wait3A_781 = tpu.memref_slice %arg5[%add3A_671, %dma_wait3A_780] : memref<8192x128xf32, #tpu.memory_space<hbm>> -> memref<32x128xf32, #tpu.memory_space<hbm>>
    %dma_wait3A_782 = tpu.memref_slice %arg14[%dma_wait3A_776] : memref<8x!tpu.dma_semaphore, #tpu.memory_space<semaphore_mem>> -> memref<1x!tpu.dma_semaphore, #tpu.memory_space<semaphore_mem>>
    %dma_wait3A_783 = tpu.memref_squeeze %dma_wait3A_782 : memref<1x!tpu.dma_semaphore, #tpu.memory_space<semaphore_mem>> -> memref<!tpu.dma_semaphore, #tpu.memory_space<semaphore_mem>>
    %dma_wait3A_784 = arith.constant 0 : i32
    %dma_wait3A_785 = tpu.memref_slice %arg5[%add3A_671, %dma_wait3A_784] : memref<8192x128xf32, #tpu.memory_space<hbm>> -> memref<32x128xf32, #tpu.memory_space<hbm>>
    %dma_wait3A_786 = arith.constant 224 : i32
    %dma_wait3A_787 = arith.constant 0 : i32
    %dma_wait3A_788 = tpu.memref_slice %arg8[%dma_wait3A_786, %dma_wait3A_787] : memref<256x128xf32, #tpu.memory_space<vmem>> -> memref<32x128xf32, #tpu.memory_space<vmem>>
    tpu.wait_dma2 semaphore(%dma_wait3A_783 : memref<!tpu.dma_semaphore, #tpu.memory_space<semaphore_mem>>) src(%dma_wait3A_788 : memref<32x128xf32, #tpu.memory_space<vmem>>) dst(%dma_wait3A_785 : memref<32x128xf32, #tpu.memory_space<hbm>>)
    return
  }
}

</mosaic_0001>

<sc_bundles>
// kernel: kernel.3.cloned.1.call-start
scs
__scs_entry_jumppad:
0x0: {  	(pc) =	sbr.rel $0x88, $3  }
0x1: {  	(tag) =	ssettag $0x0;
	lr =	simm.s32 $0x1  }
0x2: {  	[smem:$0x3F9E] =	sst lr;
	_ =	strace $0xD0000000  }
0x3: {  	_ = 	snop  }
0x4: {  	_ = 	snop  }
0x5: {  	_ = 	snop  }
0x6: {  	_ = 	snop  }
0x7: {  	_ = 	snop  }
__scs_overlays_trampoline_lowered:
0x8: {  	[smem:$0x3FAD] =	sst s0  }
0x9: {  	[smem:$0x3FAE] =	sst s1  }
0xa: {  	[smem:$0x3FAF] =	sst s2  }
0xb: {  	[smem:$0x3FB0] =	sst s3  }
0xc: {  	[smem:$0x3FB1] =	sst s4  }
0xd: {  	[smem:$0x3FB2] =	sst s5  }
0xe: {  	[smem:$0x3FB3] =	sst s6  }
0xf: {  	[smem:$0x3FB4] =	sst s7  }
0x10: {  	[smem:$0x3FB5] =	sst s8  }
0x11: {  	[smem:$0x3FB6] =	sst s9;
	s0 =	simm.s32 @!p0 $0x0  }
0x12: {  	s1 =	sld [smem:$0x3F9C];
	s0 =	simm.s32 @p0 $0x1  }
0x13: {  	[smem:$0x3FB7] =	sst s0;
	s0 =	simm.s32 @!p1 $0x0  }
0x14: {  	s2 =	sld [smem:$0x3F9B];
	s0 =	simm.s32 @p1 $0x1  }
0x15: {  	[smem:$0x3FB8] =	sst s0;
	s0 =	simm.s32 @!p2 $0x0  }
0x16: {  	s3 =	sld [smem:$0x3FDB];
	s0 =	simm.s32 @p2 $0x1  }
0x17: {  	s4 =	simm.s32 $0x1BF5;
	[smem:$0x3FBA] =	sst s0  }
0x18: {  	s0 =	sld [smem:$0x3F9D];
	_ =	swait.ge [sflag:s4], $0x0  }
0x19: {  	s7 =	sld [smem:$0x3F9E]  }
0x1a: {  	s8 =	sadd.s32 $0xFFFFE003, lr  }
0x1b: {  	s9 =	sadd.s32 $0xFFFFFEF7, lr;
	s5 =	simm.s32 $0xFFFFFFFF;
	p2 =	slt.u32 s8, $0xFFFFF086  }
0x1c: {  	p1 =	slt.u32 s9, $0xF7A;
	s5 =	simm.s32 @!p2 $0x0  }
0x1d: {  	s5 =	simm.s32 @p1 $0x1;
	p0 =	seq.s32 s7, s2  }
0x1e: {  	s7 =	smul.u32 @!p0 $0xF7A, s2;
	p2 =	seq.s32 @!p0 s5, $0x0  }
0x1f: {  	s9 =	smul.u32 $0xF7A, s1;
	s8 =	simm.s32 @!p0 $0x1BF5;
	p2 =	por !p2, p0  }
0x20: {  	[sflag:s8] =	ssyncset.s32 @!p0 $0xFFFFF086;
	s6 =	sadd.s32 @!p0 s3, s7;
	s7 =	simm.s32 @!p0 $0x108  }
0x21: {  	s3 =	sadd.s32 s3, s9;
	s6 =	sadd.s32 @!p0 $0x88, s6;
	s7 =	simm.s32 @p2 $0x1082  }
0x22: {  	[simem:s7], [sflag:s8] =	dma.local @!p0 [hbm:s6], $0xF7A  }
0x23: {  	s9 =	sor.u32 $0xD0000000, s2;
	s6 =	simm.s32 $0x108;
	_ =	swait.ge @!p0 [sflag:s8], $0x0  }
0x24: {  	s3 =	sadd.s32 $0x88, s3;
	s6 =	simm.s32 @!p1 $0x1082;
	[sflag:s4] =	ssyncset.s32 $0xFFFFF086  }
0x25: {  	[simem:s6], [sflag:s4] =	dma.local [hbm:s3], $0xF7A  }
0x26: {  	[smem:$0x3F9E] =	sst s1;
	(tag) =	ssettag s2;
	_ =	strace s9  }
0x27: {  	s1 =	sld [smem:$0x3FAE]  }
0x28: {  	s2 =	sld [smem:$0x3FAF]  }
0x29: {  	s4 =	sld [smem:$0x3FB1]  }
0x2a: {  	p0 =	seq.s32 s5, $0x0;
	s5 =	sld [smem:$0x3FB2]  }
0x2b: {  	s6 =	sld [smem:$0x3FB3]  }
0x2c: {  	s7 =	sld [smem:$0x3FB4]  }
0x2d: {  	s3 =	simm.s32 $0x108;
	s8 =	sld [smem:$0x3FB5]  }
0x2e: {  	s3 =	simm.s32 @!p0 $0x1082;
	s9 =	sld [smem:$0x3FB6]  }
0x2f: {  	lr =	sadd.s32 s0, s3;
	s0 =	sld [smem:$0x3FAD]  }
0x30: {  	s3 =	sld [smem:$0x3FB0]  }
0x31: {  	[smem:$0x3FB9] =	sst s10  }
0x32: {  	s10 =	sld [smem:$0x3FB7];
	_ =	sdelay $0x3  }
0x33: {  	p0 =	seq.s32 s10, $0x1;
	s10 =	sld [smem:$0x3FB9];
	_ =	sdelay $0x3  }
0x34: {  	[smem:$0x3FB9] =	sst s10  }
0x35: {  	s10 =	sld [smem:$0x3FB8];
	_ =	sdelay $0x3  }
0x36: {  	p1 =	seq.s32 s10, $0x1;
	s10 =	sld [smem:$0x3FB9];
	_ =	sdelay $0x3  }
0x37: {  	[smem:$0x3FB9] =	sst s10  }
0x38: {  	s10 =	sld [smem:$0x3FBA]  }
0x39: {  	_ = 	snop;
	(pc) =	sbr.ind lr, $3  }
0x3a: {  	_ = 	snop  }
0x3b: {  	_ = 	snop  }
0x3c: {  	p2 =	seq.s32 s10, $0x1;
	s10 =	sld [smem:$0x3FB9]  }
0x3d: {  	_ =	shalt  }
0x3e: {  	_ =	shalt  }
0x3f: {  	_ =	shalt  }
0x40: {  	_ =	shalt  }
0x41: {  	_ =	shalt  }
0x42: {  	_ =	shalt  }
0x43: {  	_ =	shalt  }
0x44: {  	_ =	shalt  }
0x45: {  	_ =	shalt  }
0x46: {  	_ =	shalt  }
0x47: {  	_ =	shalt  }
0x48: {  	_ =	shalt  }
0x49: {  	_ =	shalt  }
0x4a: {  	_ =	shalt  }
0x4b: {  	_ =	shalt  }
0x4c: {  	_ =	shalt  }
0x4d: {  	_ =	shalt  }
0x4e: {  	_ =	shalt  }
0x4f: {  	_ =	shalt  }
0x50: {  	_ =	shalt  }
0x51: {  	_ =	shalt  }
0x52: {  	_ =	shalt  }
0x53: {  	_ =	shalt  }
0x54: {  	_ =	shalt  }
0x55: {  	_ =	shalt  }
0x56: {  	_ =	shalt  }
0x57: {  	_ =	shalt  }
0x58: {  	_ =	shalt  }
0x59: {  	_ =	shalt  }
0x5a: {  	_ =	shalt  }
0x5b: {  	_ =	shalt  }
0x5c: {  	_ =	shalt  }
0x5d: {  	_ =	shalt  }
0x5e: {  	_ =	shalt  }
0x5f: {  	_ =	shalt  }
0x60: {  	_ =	shalt  }
0x61: {  	_ =	shalt  }
0x62: {  	_ =	shalt  }
0x63: {  	_ =	shalt  }
0x64: {  	_ =	shalt  }
0x65: {  	_ =	shalt  }
0x66: {  	_ =	shalt  }
0x67: {  	_ =	shalt  }
0x68: {  	_ =	shalt  }
0x69: {  	_ =	shalt  }
0x6a: {  	_ =	shalt  }
0x6b: {  	_ =	shalt  }
0x6c: {  	_ =	shalt  }
0x6d: {  	_ =	shalt  }
0x6e: {  	_ =	shalt  }
0x6f: {  	_ =	shalt  }
0x70: {  	_ =	shalt  }
0x71: {  	_ =	shalt  }
0x72: {  	_ =	shalt  }
0x73: {  	_ =	shalt  }
0x74: {  	_ =	shalt  }
0x75: {  	_ =	shalt  }
0x76: {  	_ =	shalt  }
0x77: {  	_ =	shalt  }
0x78: {  	_ =	shalt  }
0x79: {  	_ =	shalt  }
0x7a: {  	_ =	shalt  }
0x7b: {  	_ =	shalt  }
0x7c: {  	_ =	shalt  }
0x7d: {  	_ =	shalt  }
0x7e: {  	_ =	shalt  }
0x7f: {  	_ =	shalt  }
0x80: {  	_ =	shalt  }
0x81: {  	_ =	shalt  }
0x82: {  	_ =	shalt  }
0x83: {  	_ =	shalt  }
0x84: {  	_ =	shalt  }
0x85: {  	_ =	shalt  }
0x86: {  	_ =	shalt  }
0x87: {  	_ =	shalt  }
.Lfunc_end0:
.L_simem_size_0:
called_computation_lowered:
.L_overlay_start_0:
0x88: {  	s2 =	sld [smem:$0x3FD9]  }
0x89: {  	s3 =	sld [smem:$0x3FFE];
	_ =	sdelay $0x1  }
0x8a: {  	s1 =	srdreg.scid  }
0x8b: {  	s0 =	sand.u32 $0x1, s1  }
0x8c: {  	s18 =	sshll.u32 s0, $0xA;
	s2 =	sadd.s32 s3, s2  }
0x8d: {  	s2 =	sadd.s32 s2, s18  }
0x8e: {  	[smem:$0x3FC5] =	sst s2  }
0x8f: {  	_ = 	snop  }
0x90: {  	s2 =	sld [smem:$0x3FC9]  }
0x91: {  	s19 =	sld [smem:$0x3FC8]  }
0x92: {  	s4 =	sld [smem:$0x3FC7]  }
0x93: {  	s5 =	sld [smem:$0x3FD0];
	(tm) =	ssettm $0x1  }
0x94: {  	s6 =	sld [smem:$0x3FFB];
	_ =	sdelay $0x3  }
0x95: {  	_ =	strace s6  }
0x96: {  	s6 =	sld [smem:$0x3FFC];
	_ =	sdelay $0x3  }
0x97: {  	_ =	strace s6  }
0x98: {  	s6 =	sld [smem:$0x3FFD];
	_ =	sdelay $0x3  }
0x99: {  	_ =	strace s6  }
0x9a: {  	_ =	strace $0x8FFFFFFF  }
0x9b: {  	s20 =	sld [smem:$0x3FDB];
	_ =	sdelay $0x1  }
0x9c: {  	s7 =	simm.s32 $_scs_section_size  }
0x9d: {  	s8 =	simm.s32 $_size__tile_overlayer_lowered;
	s9 =	simm.s32 $_tile_overlayer_lowered  }
0x9e: {  	s23 =	simm.s32 $0x1BFF;
	s22 =	sshll.u32 s9, $0x1;
	s6 =	sadd.s32 s7, s20  }
0x9f: {  	s10 =	simm.s32 $0x0;
	s21 =	sshll.u32 s8, $0x1;
	s8 =	sadd.s32 s22, s6  }
0xa0: {  	[timem:s10], [sflag:s23] =	dma.local [hbm:s8], s21  }
0xa1: {  	_ =	swait.ge [sflag:s23], s21  }
0xa2: {  	s7 =	ssub.s32 $0x0, s21;
	[sflag:s23] =	ssyncset.done $0x0  }
0xa3: {  	[sflag:s23] =	ssyncadd.s32 s7;
	_ =	sdelay $0x1  }
0xa4: {  	s24 =	simm.s32 $0x1B8B  }
0xa5: {  	_ =	swait.ge [sflag:s24], $0x1  }
0xa6: {  	[sflag:s24] =	ssyncset.done $0x0  }
0xa7: {  	s25 =	simm.s32 $0x1B8E;
	[sflag:s24] =	ssyncadd.s32 $0xFFFFFFFF  }
0xa8: {  	s26 =	simm.s32 $execute0_lowered;
	[smem:$0x3FD2] =	sst s25  }
0xa9: {  	s7 =	sshll.u32 s26, $0x1;
	_ =	strace $0x80000046;
	[dreg:$0x1] =	wrdreg $0xFFFFFFFF  }
0xaa: {  	s28 =	simm.s32 $_size_execute0_lowered;
	s6 =	sadd.s32 s6, s7;
	[dreg:$0x0] =	wrdreg $0x0  }
0xab: {  	s7 =	sshll.u32 s28, $0x1;
	[dreg:$0x2] =	wrdreg s6  }
0xac: {  	[dreg:$0x3] =	wrdreg s7  }
0xad: {  	[dreg:$0x4] =	wrdreg $0xC0  }
0xae: {  	_ =	task [dreg:s10], $0x5FFFF  }
0xaf: {  	[dreg:$0x1] =	wrdreg $0xFFFFFFFF  }
0xb0: {  	[dreg:$0x0] =	wrdreg $0x60  }
0xb1: {  	[dreg:$0x2] =	wrdreg s2  }
0xb2: {  	[dreg:$0x3] =	wrdreg s19  }
0xb3: {  	[dreg:$0x4] =	wrdreg s4  }
0xb4: {  	[dreg:$0x5] =	wrdreg s5  }
0xb5: {  	[dreg:$0x6] =	wrdreg $0x82800  }
0xb6: {  	[dreg:$0x7] =	wrdreg $0x9  }
0xb7: {  	_ =	task.clear_ibuf [dreg:s10], $0x8FFFF;
	_ =	strace $0x90000046  }
0xb8: {  	s29 =	simm.s32 $0x9;
	_ =	strace $0x80000048  }
0xb9: {  	_ =	swait.ge [sflag:s29], $0x1  }
0xba: {  	[sflag:s29] =	ssyncadd.s32 $0xFFFFFFFF  }
0xbb: {  	_ =	strace $0x90000048  }
0xbc: {  	_ =	sfence  }
0xbd: {  	s30 =	sld [smem:$0x0];
	_ =	sdelay $0x2  }
0xbe: {  	s31 =	sshll.u32 s1, $0xD;
	s1 =	sshrl.u32 s1, $0x2  }
0xbf: {  	s3 =	sand.u32 $0x4000, s31;
	s1 =	sadd.s32 s1, s30  }
0xc0: {  	s0 =	sor.u32 s3, s0;
	s1 =	sshll.u32 s1, $0x11  }
0xc1: {  	s0 =	sor.u32 s1, s0  }
0xc2: {  	s0 =	sadd.s32 $0x8F2B, s0  }
0xc3: {  	[sflag:s0] =	ssyncadd.remote.s32 $0x1  }
0xc4: {  	_ =	sfence.sel $0xFFFF  }
0xc5: {  	[dreg:$0x0] =	wrdreg $0xFFFFFFFF;
	(pc) =	sbr.abs _section_cstart, $3  }
0xc6: {  	[dreg:$0x1] =	wrdreg $0xFFFFFFFF  }
0xc7: {  	_ =	task.clear_ibuf [dreg:s10], $0x2FFFF;
	_ =	strace $0x9FFFFFFF  }
0xc8: {  	(tm) =	ssettm $0x7FFFFFFF  }
0xc9: {  	_ =	shalt  }
tec
execute0_lowered:
.L_overlay_start_1:
0x0: {  	(tag) =	ssettag $0x1  }
0x1: {  	s1 =	rddreg [dreg:$0x0]  }
0x2: {  	s2 =	rddreg [dreg:$0x1]  }
0x3: {  	s5 =	rddreg [dreg:$0x2]  }
0x4: {  	s0 =	srdreg.scid;
	s6 =	rddreg [dreg:$0x3]  }
0x5: {  	s11 =	stileid.u32;
	s3 =	rddreg [dreg:$0x4];
	s20 =	sand.u32 $0x1, s0  }
0x6: {  	s4 =	simm.s32 $0x0;
	s26 =	sshll.u32 s11, $0x7;
	s7 =	sshll.u32 s20, $0x6  }
0x7: {  	s25 =	simm.s32 $0xA0;
	[smem:$0x7FF] =	sst s4;
	s0 =	sor.u32 s7, s26  }
0x8: {  	_ =	strace $0x80000047;
	[dreg:$0x13] =	wrdreg s25;
	s9 =	sshll.u32 s0, $0x4  }
0x9: {  	s8 =	sshll.u32 s0, $0x2;
	s0 =	sshll.u32 s11, $0x6;
	s5 =	sadd.s32 s5, s9  }
0xa: {  	s10 =	sand.u32 $0x1E00, s8;
	s30 =	sor.u32 $0x1C05, s0;
	[dreg:$0x6] =	wrdreg s5  }
0xb: {  	s10 =	sor.u32 s7, s10;
	[dreg:$0x7] =	wrdreg s30  }
0xc: {  	s7 =	sor.u32 s7, s8;
	s30 =	simm.s32 $0x120;
	s26 =	rddreg [dreg:$0x6]  }
0xd: {  	s8 =	sadd.s32 s6, s9;
	s9 =	simm.s32 $0x1A0;
	[dreg:$0x14] =	wrdreg s30  }
0xe: {  	s15 =	sadd.s32 $0x200, s8;
	[dreg:$0x15] =	wrdreg s9  }
0xf: {  	s16 =	sadd.s32 $0x8000, s8;
	[dreg:$0xb] =	wrdreg s15  }
0x10: {  	s17 =	sadd.s32 $0x8200, s8;
	[dreg:$0xc] =	wrdreg s16  }
0x11: {  	s18 =	sadd.s32 $0x10000, s8;
	[dreg:$0xd] =	wrdreg s17  }
0x12: {  	s19 =	sadd.s32 $0x10200, s8;
	[dreg:$0xe] =	wrdreg s18  }
0x13: {  	s29 =	sshrl.u32 s10, $0x3;
	s22 =	sadd.s32 $0x18000, s8;
	[dreg:$0xf] =	wrdreg s19  }
0x14: {  	s31 =	sshrl.u32 s7, $0x3;
	s23 =	sadd.s32 $0x18200, s8;
	[dreg:$0x10] =	wrdreg s22  }
0x15: {  	s10 =	sadd.s32 s1, s29;
	s13 =	sor.u32 $0x20, s31;
	[dreg:$0x11] =	wrdreg s23  }
0x16: {  	s5 =	sor.u32 $0x30, s31;
	s31 =	rddreg [dreg:$0x7];
	s12 =	sadd.s32 $0x10, s10  }
0x17: {  	s21 =	sshll.u32 s11, $0xD;
	s14 =	sadd.s32 s1, s13;
	[dreg:$0x8] =	wrdreg s12  }
0x18: {  	s1 =	sadd.s32 s1, s5;
	s5 =	sadd.s32 s21, s3;
	[dreg:$0x9] =	wrdreg s14  }
0x19: {  	[dreg:$0xa] =	wrdreg s1;
	s24 =	sshrl.u32 s5, $0x3  }
0x1a: {  	[dreg:$0x12] =	wrdreg s24  }
0x1b: {  	s29 =	rddreg [dreg:$0x12]  }
0x1c: {  	[spmem:s29], [sflag:s31] =	dma.local [hbm:s26], $0x400  }
0x1d: {  	[dreg:$0x16] =	wrdreg s10  }
0x1e: {  	[tilespmem:s4], [sflag:$0x1] =	stream.linear.gather [hbm4b:s10+s4], $0x40, $0x38;
	[tilespmem:$0xA280] =	vst v63  }
0x1f: {  	s1 =	rddreg [dreg:$0x8];
	s10 =	simm.s32 $0x80  }
0x20: {  	[tilespmem:s10], [sflag:$0x2] =	stream.linear.gather [hbm4b:s1+s4], $0x40, $0x38;
	[tilespmem:$0xA280] =	vst v63  }
0x21: {  	s11 =	simm.s32 $0x100;
	s15 =	sor.u32 $0x30, s0;
	s5 =	rddreg [dreg:$0x9]  }
0x22: {  	[tilespmem:s11], [sflag:$0x3] =	stream.linear.gather [hbm4b:s5+s4], $0x40, $0x38;
	[tilespmem:$0xA280] =	vst v63  }
0x23: {  	v3 =	vlaneseq.u32;
	s16 =	simm.s32 $0x180;
	s14 =	sor.u32 $0x20, s0;
	s13 =	rddreg [dreg:$0xa]  }
0x24: {  	v0 =	vor.u32 s15, v3;
	[tilespmem:s16], [sflag:$0x4] =	stream.linear.gather [hbm4b:s13+s4], $0x40, $0x38;
	[tilespmem:$0xA280] =	vst v63  }
0x25: {  	v1 =	vor.u32 s14, v3;
	[tilespmem:$0x230] =	vst v0  }
0x26: {  	v2 =	vor.u32 s0, v3;
	s0 =	sor.u32 $0x10, s0;
	[tilespmem:$0x220] =	vst v1  }
0x27: {  	v3 =	vor.u32 s0, v3;
	[tilespmem:$0x200] =	vst v2  }
0x28: {  	s17 =	simm.s32 $0x1;
	[tilespmem:$0x210] =	vst v3  }
0x29: {  	_ =	swait.ge [sflag:s17], $0x40  }
0x2a: {  	[sflag:s17] =	ssyncset.done $0x0  }
0x2b: {  	s18 =	simm.s32 $0x2;
	[sflag:s17] =	ssyncadd.s32 $0xFFFFFFC0  }
0x2c: {  	_ =	swait.ge [sflag:s18], $0x40  }
0x2d: {  	[sflag:s18] =	ssyncset.done $0x0  }
0x2e: {  	s19 =	simm.s32 $0x3;
	[sflag:s18] =	ssyncadd.s32 $0xFFFFFFC0  }
0x2f: {  	_ =	swait.ge [sflag:s19], $0x40  }
0x30: {  	[sflag:s19] =	ssyncset.done $0x0  }
0x31: {  	s21 =	simm.s32 $0x4;
	[sflag:s19] =	ssyncadd.s32 $0xFFFFFFC0  }
0x32: {  	_ =	swait.ge [sflag:s21], $0x40  }
0x33: {  	[sflag:s21] =	ssyncset.done $0x0  }
0x34: {  	s22 =	simm.s32 $0x280;
	s14 =	simm.s32 $0x20;
	[sflag:s21] =	ssyncadd.s32 $0xFFFFFFC0  }
0x35: {  	[tilespmem:s22], [sflag:$0x6] =	stream.indirect.gather [hbm4b:s2+s14], $0x80, s4, s14, $0xb8;
	[tilespmem:$0xA280] =	vst v63  }
0x36: {  	s23 =	simm.s32 $0x1280  }
0x37: {  	[tilespmem:s23], [sflag:$0x7] =	stream.indirect.gather [hbm4b:s2+s14], $0x80, s14, s14, $0xb8;
	[tilespmem:$0xA280] =	vst v63  }
0x38: {  	s5 =	simm.s32 $0x2280  }
0x39: {  	[tilespmem:s5], [sflag:$0x8] =	stream.indirect.gather [hbm4b:s2+s14], $0x80, s10, s14, $0xb8;
	[tilespmem:$0xA280] =	vst v63  }
0x3a: {  	s12 =	simm.s32 $0x3280;
	s24 =	rddreg [dreg:$0x13]  }
0x3b: {  	[tilespmem:s12], [sflag:$0x9] =	stream.indirect.gather [hbm4b:s2+s14], $0x80, s24, s14, $0xb8;
	[tilespmem:$0xA280] =	vst v63  }
0x3c: {  	s6 =	simm.s32 $0x4280  }
0x3d: {  	[tilespmem:s6], [sflag:$0xA] =	stream.indirect.gather [hbm4b:s2+s14], $0x80, s11, s14, $0xb8;
	[tilespmem:$0xA280] =	vst v63  }
0x3e: {  	s13 =	simm.s32 $0x5280;
	s25 =	rddreg [dreg:$0x14]  }
0x3f: {  	[tilespmem:s13], [sflag:$0xB] =	stream.indirect.gather [hbm4b:s2+s14], $0x80, s25, s14, $0xb8;
	[tilespmem:$0xA280] =	vst v63  }
0x40: {  	s15 =	simm.s32 $0x6280  }
0x41: {  	[tilespmem:s15], [sflag:$0xC] =	stream.indirect.gather [hbm4b:s2+s14], $0x80, s16, s14, $0xb8;
	[tilespmem:$0xA280] =	vst v63  }
0x42: {  	s29 =	simm.s32 $0x5;
	s26 =	rddreg [dreg:$0x15];
	s16 =	simm.s32 $0x7280  }
0x43: {  	[tilespmem:s16], [sflag:$0xD] =	stream.indirect.gather [hbm4b:s2+s14], $0x80, s26, s14, $0xb8;
	[tilespmem:$0xA280] =	vst v63  }
0x44: {  	_ =	swait.ge [sflag:s29], $0x400  }
0x45: {  	[sflag:s29] =	ssyncset.done $0x0  }
0x46: {  	s30 =	simm.s32 $0x6;
	[sflag:s29] =	ssyncadd.s32 $0xFFFFFC00  }
0x47: {  	_ =	swait.ge [sflag:s30], $0x1000  }
0x48: {  	[sflag:s30] =	ssyncset.done $0x0  }
0x49: {  	s31 =	simm.s32 $0x7;
	s25 =	simm.s32 $0x200;
	[sflag:s30] =	ssyncadd.s32 $0xFFFFF000  }
0x4a: {  	[tilespmem:s22], [sflag:$0xE] =	stream.indirect.gather.add.f32 [spmem:s3], $0x80, s25, s14, $0xb8;
	[tilespmem:$0xA280] =	vst v63  }
0x4b: {  	_ =	swait.ge [sflag:s31], $0x1000  }
0x4c: {  	[sflag:s31] =	ssyncset.done $0x0  }
0x4d: {  	s28 =	simm.s32 $0x220;
	s7 =	simm.s32 $0x8;
	[sflag:s31] =	ssyncadd.s32 $0xFFFFF000  }
0x4e: {  	[tilespmem:s23], [sflag:$0xF] =	stream.indirect.gather.add.f32 [spmem:s3], $0x80, s28, s14, $0xb8;
	[tilespmem:$0xA280] =	vst v63  }
0x4f: {  	_ =	swait.ge [sflag:s7], $0x1000  }
0x50: {  	[sflag:s7] =	ssyncset.done $0x0  }
0x51: {  	s9 =	simm.s32 $0x9;
	[sflag:s7] =	ssyncadd.s32 $0xFFFFF000  }
0x52: {  	[tilespmem:s5], [sflag:$0x10] =	stream.indirect.gather.add.f32 [spmem:s3], $0x80, s25, s14, $0xb8;
	[tilespmem:$0xA280] =	vst v63  }
0x53: {  	_ =	swait.ge [sflag:s9], $0x1000  }
0x54: {  	[sflag:s9] =	ssyncset.done $0x0  }
0x55: {  	s10 =	simm.s32 $0xA;
	[sflag:s9] =	ssyncadd.s32 $0xFFFFF000  }
0x56: {  	[tilespmem:s12], [sflag:$0x11] =	stream.indirect.gather.add.f32 [spmem:s3], $0x80, s28, s14, $0xb8;
	[tilespmem:$0xA280] =	vst v63  }
0x57: {  	_ =	swait.ge [sflag:s10], $0x1000  }
0x58: {  	[sflag:s10] =	ssyncset.done $0x0  }
0x59: {  	s17 =	simm.s32 $0xB;
	[sflag:s10] =	ssyncadd.s32 $0xFFFFF000  }
0x5a: {  	[tilespmem:s6], [sflag:$0x12] =	stream.indirect.gather.add.f32 [spmem:s3], $0x80, s25, s14, $0xb8;
	[tilespmem:$0xA280] =	vst v63  }
0x5b: {  	_ =	swait.ge [sflag:s17], $0x1000  }
0x5c: {  	[sflag:s17] =	ssyncset.done $0x0  }
0x5d: {  	s18 =	simm.s32 $0xC;
	[sflag:s17] =	ssyncadd.s32 $0xFFFFF000  }
0x5e: {  	[tilespmem:s13], [sflag:$0x13] =	stream.indirect.gather.add.f32 [spmem:s3], $0x80, s28, s14, $0xb8;
	[tilespmem:$0xA280] =	vst v63  }
0x5f: {  	_ =	swait.ge [sflag:s18], $0x1000  }
0x60: {  	[sflag:s18] =	ssyncset.done $0x0  }
0x61: {  	s19 =	simm.s32 $0xD;
	[sflag:s18] =	ssyncadd.s32 $0xFFFFF000  }
0x62: {  	[tilespmem:s15], [sflag:$0x14] =	stream.indirect.gather.add.f32 [spmem:s3], $0x80, s25, s14, $0xb8;
	[tilespmem:$0xA280] =	vst v63  }
0x63: {  	_ =	swait.ge [sflag:s19], $0x1000  }
0x64: {  	[sflag:s19] =	ssyncset.done $0x0  }
0x65: {  	s21 =	simm.s32 $0xE;
	[sflag:s19] =	ssyncadd.s32 $0xFFFFF000  }
0x66: {  	[tilespmem:s16], [sflag:$0x15] =	stream.indirect.gather.add.f32 [spmem:s3], $0x80, s28, s14, $0xb8;
	[tilespmem:$0xA280] =	vst v63  }
0x67: {  	_ =	swait.ge [sflag:s21], $0x1000  }
0x68: {  	[sflag:s21] =	ssyncset.done $0x0  }
0x69: {  	s7 =	simm.s32 $0xF;
	[dreg:$0x17] =	wrdreg s8;
	[sflag:s21] =	ssyncadd.s32 $0xFFFFF000  }
0x6a: {  	[hbm4b:s8+s4] =	stream.linear.scatter [tilespmem:s22], [sflag:$0x16], $0x1000, $0x38;
	[tilespmem:$0xA280] =	vst v63  }
0x6b: {  	_ =	swait.ge [sflag:s7], $0x1000  }
0x6c: {  	[sflag:s7] =	ssyncset.done $0x0  }
0x6d: {  	s8 =	simm.s32 $0x10;
	s22 =	rddreg [dreg:$0xb];
	[sflag:s7] =	ssyncadd.s32 $0xFFFFF000  }
0x6e: {  	[hbm4b:s22+s4] =	stream.linear.scatter [tilespmem:s23], [sflag:$0x17], $0x1000, $0x38;
	[tilespmem:$0xA280] =	vst v63  }
0x6f: {  	_ =	swait.ge [sflag:s8], $0x1000  }
0x70: {  	[sflag:s8] =	ssyncset.done $0x0  }
0x71: {  	s9 =	simm.s32 $0x11;
	s23 =	rddreg [dreg:$0xc];
	[sflag:s8] =	ssyncadd.s32 $0xFFFFF000  }
0x72: {  	[hbm4b:s23+s4] =	stream.linear.scatter [tilespmem:s5], [sflag:$0x18], $0x1000, $0x38;
	[tilespmem:$0xA280] =	vst v63  }
0x73: {  	_ =	swait.ge [sflag:s9], $0x1000  }
0x74: {  	[sflag:s9] =	ssyncset.done $0x0  }
0x75: {  	s10 =	simm.s32 $0x12;
	s24 =	rddreg [dreg:$0xd];
	[sflag:s9] =	ssyncadd.s32 $0xFFFFF000  }
0x76: {  	[hbm4b:s24+s4] =	stream.linear.scatter [tilespmem:s12], [sflag:$0x19], $0x1000, $0x38;
	[tilespmem:$0xA280] =	vst v63  }
0x77: {  	_ =	swait.ge [sflag:s10], $0x1000  }
0x78: {  	[sflag:s10] =	ssyncset.done $0x0  }
0x79: {  	s11 =	simm.s32 $0x13;
	s26 =	rddreg [dreg:$0xe];
	[sflag:s10] =	ssyncadd.s32 $0xFFFFF000  }
0x7a: {  	[hbm4b:s26+s4] =	stream.linear.scatter [tilespmem:s6], [sflag:$0x1A], $0x1000, $0x38;
	[tilespmem:$0xA280] =	vst v63  }
0x7b: {  	_ =	swait.ge [sflag:s11], $0x1000  }
0x7c: {  	[sflag:s11] =	ssyncset.done $0x0  }
0x7d: {  	s12 =	simm.s32 $0x14;
	s29 =	rddreg [dreg:$0xf];
	[sflag:s11] =	ssyncadd.s32 $0xFFFFF000  }
0x7e: {  	[hbm4b:s29+s4] =	stream.linear.scatter [tilespmem:s13], [sflag:$0x1B], $0x1000, $0x38;
	[tilespmem:$0xA280] =	vst v63  }
0x7f: {  	_ =	swait.ge [sflag:s12], $0x1000  }
0x80: {  	[sflag:s12] =	ssyncset.done $0x0  }
0x81: {  	s13 =	simm.s32 $0x15;
	s30 =	rddreg [dreg:$0x10];
	[sflag:s12] =	ssyncadd.s32 $0xFFFFF000  }
0x82: {  	[hbm4b:s30+s4] =	stream.linear.scatter [tilespmem:s15], [sflag:$0x1C], $0x1000, $0x38;
	[tilespmem:$0xA280] =	vst v63  }
0x83: {  	_ =	swait.ge [sflag:s13], $0x1000  }
0x84: {  	[sflag:s13] =	ssyncset.done $0x0  }
0x85: {  	s15 =	simm.s32 $0x16;
	s31 =	rddreg [dreg:$0x11];
	[sflag:s13] =	ssyncadd.s32 $0xFFFFF000  }
0x86: {  	[hbm4b:s31+s4] =	stream.linear.scatter [tilespmem:s16], [sflag:$0x1D], $0x1000, $0x38;
	[tilespmem:$0xA280] =	vst v63  }
0x87: {  	_ =	swait.ge [sflag:s15], $0x1000  }
0x88: {  	[sflag:s15] =	ssyncset.done $0x0  }
0x89: {  	s16 =	simm.s32 $0x17;
	[sflag:s15] =	ssyncadd.s32 $0xFFFFF000  }
0x8a: {  	_ =	swait.ge [sflag:s16], $0x1000  }
0x8b: {  	[sflag:s16] =	ssyncset.done $0x0  }
0x8c: {  	s17 =	simm.s32 $0x18;
	[sflag:s16] =	ssyncadd.s32 $0xFFFFF000  }
0x8d: {  	_ =	swait.ge [sflag:s17], $0x1000  }
0x8e: {  	[sflag:s17] =	ssyncset.done $0x0  }
0x8f: {  	s18 =	simm.s32 $0x19;
	[sflag:s17] =	ssyncadd.s32 $0xFFFFF000  }
0x90: {  	_ =	swait.ge [sflag:s18], $0x1000  }
0x91: {  	s21 =	ssub.s32 $0x2, s20;
	[sflag:s18] =	ssyncset.done $0x0  }
0x92: {  	s19 =	simm.s32 $0x1A;
	s22 =	sshrl.u32 s21, $0x1;
	[sflag:s18] =	ssyncadd.s32 $0xFFFFF000  }
0x93: {  	s21 =	ssub.s32 s21, s22;
	_ =	swait.ge [sflag:s19], $0x1000  }
0x94: {  	s22 =	smax.u32 s21, $0x1;
	[sflag:s19] =	ssyncset.done $0x0  }
0x95: {  	s20 =	simm.s32 $0x1B;
	p0 =	sne.s32 s22, $0x1;
	[sflag:s19] =	ssyncadd.s32 $0xFFFFF000  }
.Ltmp0:
0x96: {  	_ =	swait.ge [sflag:s20], $0x1000;
	(pc) =	sbr.rel @!p0 .LBB2_3-.Ltmp0, $4  }
0x97: {  	[sflag:s20] =	ssyncset.done $0x0  }
0x98: {  	s21 =	simm.s32 $0x1C;
	[sflag:s20] =	ssyncadd.s32 $0xFFFFF000  }
0x99: {  	_ =	swait.ge [sflag:s21], $0x1000  }
0x9a: {  	s23 =	sadd.s32 $0xFFFFFFFF, s22;
	s22 =	simm.s32 $0x1D;
	[sflag:s21] =	ssyncset.done $0x0  }
0x9b: {  	s1 =	simm.s32 $0x280  }
0x9c: {  	s0 =	simm.s32 $0x1280;
	s5 =	simm.s32 $0x2280;
	s6 =	simm.s32 $0x4280  }
.LBB2_2:
0x9d: {  	[sflag:s21] =	ssyncadd.s32 $0xFFFFF000  }
0x9e: {  	_ =	swait.ge [sflag:s22], $0x1000  }
0x9f: {  	s24 =	rddreg [dreg:$0x6]  }
0xa0: {  	[sflag:s22] =	ssyncset.done $0x0;
	s26 =	rddreg [dreg:$0x12]  }
0xa1: {  	s29 =	rddreg [dreg:$0x7];
	[sflag:s22] =	ssyncadd.s32 $0xFFFFF000  }
0xa2: {  	[spmem:s26], [sflag:s29] =	dma.local [hbm:s24], $0x400  }
0xa3: {  	s26 =	rddreg [dreg:$0x16]  }
0xa4: {  	[tilespmem:s4], [sflag:$0x1] =	stream.linear.gather [hbm4b:s26+s4], $0x40, $0x38;
	[tilespmem:$0xA280] =	vst v63  }
0xa5: {  	s29 =	simm.s32 $0x80;
	s24 =	rddreg [dreg:$0x8]  }
0xa6: {  	[tilespmem:s29], [sflag:$0x2] =	stream.linear.gather [hbm4b:s24+s4], $0x40, $0x38;
	[tilespmem:$0xA280] =	vst v63  }
0xa7: {  	s30 =	simm.s32 $0x100;
	s31 =	rddreg [dreg:$0x9]  }
0xa8: {  	[tilespmem:s30], [sflag:$0x3] =	stream.linear.gather [hbm4b:s31+s4], $0x40, $0x38;
	[tilespmem:$0xA280] =	vst v63  }
0xa9: {  	s24 =	rddreg [dreg:$0xa];
	s31 =	simm.s32 $0x180  }
0xaa: {  	[tilespmem:s31], [sflag:$0x4] =	stream.linear.gather [hbm4b:s24+s4], $0x40, $0x38;
	[tilespmem:$0xA280] =	vst v63  }
0xab: {  	[tilespmem:$0x230] =	vst v0  }
0xac: {  	[tilespmem:$0x220] =	vst v1  }
0xad: {  	[tilespmem:$0x200] =	vst v2  }
0xae: {  	s26 =	simm.s32 $0x1;
	[tilespmem:$0x210] =	vst v3  }
0xaf: {  	_ =	swait.ge [sflag:s26], $0x40  }
0xb0: {  	[sflag:s26] =	ssyncset.done $0x0  }
0xb1: {  	[sflag:s26] =	ssyncadd.s32 $0xFFFFFFC0;
	s26 =	simm.s32 $0x2  }
0xb2: {  	_ =	swait.ge [sflag:s26], $0x40  }
0xb3: {  	[sflag:s26] =	ssyncset.done $0x0  }
0xb4: {  	[sflag:s26] =	ssyncadd.s32 $0xFFFFFFC0;
	s26 =	simm.s32 $0x3  }
0xb5: {  	_ =	swait.ge [sflag:s26], $0x40  }
0xb6: {  	[sflag:s26] =	ssyncset.done $0x0  }
0xb7: {  	[sflag:s26] =	ssyncadd.s32 $0xFFFFFFC0;
	s26 =	simm.s32 $0x4  }
0xb8: {  	_ =	swait.ge [sflag:s26], $0x40  }
0xb9: {  	[sflag:s26] =	ssyncset.done $0x0  }
0xba: {  	[sflag:s26] =	ssyncadd.s32 $0xFFFFFFC0  }
0xbb: {  	[tilespmem:s1], [sflag:$0x6] =	stream.indirect.gather [hbm4b:s2+s14], $0x80, s4, s14, $0xb8;
	[tilespmem:$0xA280] =	vst v63  }
0xbc: {  	_ = 	snop  }
0xbd: {  	[tilespmem:s0], [sflag:$0x7] =	stream.indirect.gather [hbm4b:s2+s14], $0x80, s14, s14, $0xb8;
	[tilespmem:$0xA280] =	vst v63  }
0xbe: {  	_ = 	snop  }
0xbf: {  	[tilespmem:s5], [sflag:$0x8] =	stream.indirect.gather [hbm4b:s2+s14], $0x80, s29, s14, $0xb8;
	[tilespmem:$0xA280] =	vst v63  }
0xc0: {  	s24 =	rddreg [dreg:$0x13];
	s29 =	simm.s32 $0x3280  }
0xc1: {  	[tilespmem:s29], [sflag:$0x9] =	stream.indirect.gather [hbm4b:s2+s14], $0x80, s24, s14, $0xb8;
	[tilespmem:$0xA280] =	vst v63  }
0xc2: {  	_ = 	snop  }
0xc3: {  	[tilespmem:s6], [sflag:$0xA] =	stream.indirect.gather [hbm4b:s2+s14], $0x80, s30, s14, $0xb8;
	[tilespmem:$0xA280] =	vst v63  }
0xc4: {  	s26 =	rddreg [dreg:$0x14];
	s30 =	simm.s32 $0x5280  }
0xc5: {  	[tilespmem:s30], [sflag:$0xB] =	stream.indirect.gather [hbm4b:s2+s14], $0x80, s26, s14, $0xb8;
	[tilespmem:$0xA280] =	vst v63  }
0xc6: {  	s26 =	simm.s32 $0x6280  }
0xc7: {  	[tilespmem:s26], [sflag:$0xC] =	stream.indirect.gather [hbm4b:s2+s14], $0x80, s31, s14, $0xb8;
	[tilespmem:$0xA280] =	vst v63  }
0xc8: {  	s24 =	rddreg [dreg:$0x15];
	s31 =	simm.s32 $0x7280  }
0xc9: {  	[tilespmem:s31], [sflag:$0xD] =	stream.indirect.gather [hbm4b:s2+s14], $0x80, s24, s14, $0xb8;
	[tilespmem:$0xA280] =	vst v63  }
0xca: {  	s24 =	simm.s32 $0x5  }
0xcb: {  	_ =	swait.ge [sflag:s24], $0x400  }
0xcc: {  	[sflag:s24] =	ssyncset.done $0x0  }
0xcd: {  	[sflag:s24] =	ssyncadd.s32 $0xFFFFFC00;
	s24 =	simm.s32 $0x6  }
0xce: {  	_ =	swait.ge [sflag:s24], $0x1000  }
0xcf: {  	[sflag:s24] =	ssyncset.done $0x0  }
0xd0: {  	[sflag:s24] =	ssyncadd.s32 $0xFFFFF000;
	s24 =	simm.s32 $0x7  }
0xd1: {  	[tilespmem:s1], [sflag:$0xE] =	stream.indirect.gather.add.f32 [spmem:s3], $0x80, s25, s14, $0xb8;
	[tilespmem:$0xA280] =	vst v63  }
0xd2: {  	_ =	swait.ge [sflag:s24], $0x1000  }
0xd3: {  	[sflag:s24] =	ssyncset.done $0x0  }
0xd4: {  	[sflag:s24] =	ssyncadd.s32 $0xFFFFF000;
	s24 =	simm.s32 $0x8  }
0xd5: {  	[tilespmem:s0], [sflag:$0xF] =	stream.indirect.gather.add.f32 [spmem:s3], $0x80, s28, s14, $0xb8;
	[tilespmem:$0xA280] =	vst v63  }
0xd6: {  	_ =	swait.ge [sflag:s24], $0x1000  }
0xd7: {  	[sflag:s24] =	ssyncset.done $0x0  }
0xd8: {  	[sflag:s24] =	ssyncadd.s32 $0xFFFFF000;
	s24 =	simm.s32 $0x9  }
0xd9: {  	[tilespmem:s5], [sflag:$0x10] =	stream.indirect.gather.add.f32 [spmem:s3], $0x80, s25, s14, $0xb8;
	[tilespmem:$0xA280] =	vst v63  }
0xda: {  	_ =	swait.ge [sflag:s24], $0x1000  }
0xdb: {  	[sflag:s24] =	ssyncset.done $0x0  }
0xdc: {  	[sflag:s24] =	ssyncadd.s32 $0xFFFFF000;
	s24 =	simm.s32 $0xA  }
0xdd: {  	[tilespmem:s29], [sflag:$0x11] =	stream.indirect.gather.add.f32 [spmem:s3], $0x80, s28, s14, $0xb8;
	[tilespmem:$0xA280] =	vst v63  }
0xde: {  	_ =	swait.ge [sflag:s24], $0x1000  }
0xdf: {  	[sflag:s24] =	ssyncset.done $0x0  }
0xe0: {  	[sflag:s24] =	ssyncadd.s32 $0xFFFFF000;
	s24 =	simm.s32 $0xB  }
0xe1: {  	[tilespmem:s6], [sflag:$0x12] =	stream.indirect.gather.add.f32 [spmem:s3], $0x80, s25, s14, $0xb8;
	[tilespmem:$0xA280] =	vst v63  }
0xe2: {  	_ =	swait.ge [sflag:s24], $0x1000  }
0xe3: {  	[sflag:s24] =	ssyncset.done $0x0  }
0xe4: {  	[sflag:s24] =	ssyncadd.s32 $0xFFFFF000;
	s24 =	simm.s32 $0xC  }
0xe5: {  	[tilespmem:s30], [sflag:$0x13] =	stream.indirect.gather.add.f32 [spmem:s3], $0x80, s28, s14, $0xb8;
	[tilespmem:$0xA280] =	vst v63  }
0xe6: {  	_ =	swait.ge [sflag:s24], $0x1000  }
0xe7: {  	[sflag:s24] =	ssyncset.done $0x0  }
0xe8: {  	[sflag:s24] =	ssyncadd.s32 $0xFFFFF000;
	s24 =	simm.s32 $0xD  }
0xe9: {  	[tilespmem:s26], [sflag:$0x14] =	stream.indirect.gather.add.f32 [spmem:s3], $0x80, s25, s14, $0xb8;
	[tilespmem:$0xA280] =	vst v63  }
0xea: {  	_ =	swait.ge [sflag:s24], $0x1000  }
0xeb: {  	[sflag:s24] =	ssyncset.done $0x0  }
0xec: {  	[sflag:s24] =	ssyncadd.s32 $0xFFFFF000;
	s24 =	simm.s32 $0xE  }
0xed: {  	[tilespmem:s31], [sflag:$0x15] =	stream.indirect.gather.add.f32 [spmem:s3], $0x80, s28, s14, $0xb8;
	[tilespmem:$0xA280] =	vst v63  }
0xee: {  	_ =	swait.ge [sflag:s24], $0x1000  }
0xef: {  	[sflag:s24] =	ssyncset.done $0x0  }
0xf0: {  	[sflag:s24] =	ssyncadd.s32 $0xFFFFF000;
	s24 =	rddreg [dreg:$0x17]  }
0xf1: {  	[hbm4b:s24+s4] =	stream.linear.scatter [tilespmem:s1], [sflag:$0x16], $0x1000, $0x38;
	[tilespmem:$0xA280] =	vst v63  }
0xf2: {  	_ =	swait.ge [sflag:s7], $0x1000  }
0xf3: {  	[sflag:s7] =	ssyncset.done $0x0  }
0xf4: {  	s24 =	rddreg [dreg:$0xb];
	[sflag:s7] =	ssyncadd.s32 $0xFFFFF000  }
0xf5: {  	[hbm4b:s24+s4] =	stream.linear.scatter [tilespmem:s0], [sflag:$0x17], $0x1000, $0x38;
	[tilespmem:$0xA280] =	vst v63  }
0xf6: {  	_ =	swait.ge [sflag:s8], $0x1000  }
0xf7: {  	[sflag:s8] =	ssyncset.done $0x0  }
0xf8: {  	s24 =	rddreg [dreg:$0xc];
	[sflag:s8] =	ssyncadd.s32 $0xFFFFF000  }
0xf9: {  	[hbm4b:s24+s4] =	stream.linear.scatter [tilespmem:s5], [sflag:$0x18], $0x1000, $0x38;
	[tilespmem:$0xA280] =	vst v63  }
0xfa: {  	_ =	swait.ge [sflag:s9], $0x1000  }
0xfb: {  	[sflag:s9] =	ssyncset.done $0x0  }
0xfc: {  	s24 =	rddreg [dreg:$0xd];
	[sflag:s9] =	ssyncadd.s32 $0xFFFFF000  }
0xfd: {  	[hbm4b:s24+s4] =	stream.linear.scatter [tilespmem:s29], [sflag:$0x19], $0x1000, $0x38;
	[tilespmem:$0xA280] =	vst v63  }
0xfe: {  	_ =	swait.ge [sflag:s10], $0x1000  }
0xff: {  	[sflag:s10] =	ssyncset.done $0x0  }
0x100: {  	s29 =	rddreg [dreg:$0xe];
	[sflag:s10] =	ssyncadd.s32 $0xFFFFF000  }
0x101: {  	[hbm4b:s29+s4] =	stream.linear.scatter [tilespmem:s6], [sflag:$0x1A], $0x1000, $0x38;
	[tilespmem:$0xA280] =	vst v63  }
0x102: {  	_ =	swait.ge [sflag:s11], $0x1000  }
0x103: {  	[sflag:s11] =	ssyncset.done $0x0  }
0x104: {  	s29 =	rddreg [dreg:$0xf];
	[sflag:s11] =	ssyncadd.s32 $0xFFFFF000  }
0x105: {  	[hbm4b:s29+s4] =	stream.linear.scatter [tilespmem:s30], [sflag:$0x1B], $0x1000, $0x38;
	[tilespmem:$0xA280] =	vst v63  }
0x106: {  	_ =	swait.ge [sflag:s12], $0x1000  }
0x107: {  	[sflag:s12] =	ssyncset.done $0x0  }
0x108: {  	s29 =	rddreg [dreg:$0x10];
	[sflag:s12] =	ssyncadd.s32 $0xFFFFF000  }
0x109: {  	[hbm4b:s29+s4] =	stream.linear.scatter [tilespmem:s26], [sflag:$0x1C], $0x1000, $0x38;
	[tilespmem:$0xA280] =	vst v63  }
0x10a: {  	_ =	swait.ge [sflag:s13], $0x1000  }
0x10b: {  	[sflag:s13] =	ssyncset.done $0x0  }
0x10c: {  	s30 =	rddreg [dreg:$0x11];
	[sflag:s13] =	ssyncadd.s32 $0xFFFFF000  }
0x10d: {  	[hbm4b:s30+s4] =	stream.linear.scatter [tilespmem:s31], [sflag:$0x1D], $0x1000, $0x38;
	[tilespmem:$0xA280] =	vst v63  }
0x10e: {  	_ =	swait.ge [sflag:s15], $0x1000  }
0x10f: {  	[sflag:s15] =	ssyncset.done $0x0  }
0x110: {  	[sflag:s15] =	ssyncadd.s32 $0xFFFFF000  }
0x111: {  	_ =	swait.ge [sflag:s16], $0x1000  }
0x112: {  	[sflag:s16] =	ssyncset.done $0x0  }
0x113: {  	[sflag:s16] =	ssyncadd.s32 $0xFFFFF000  }
0x114: {  	_ =	swait.ge [sflag:s17], $0x1000  }
0x115: {  	[sflag:s17] =	ssyncset.done $0x0  }
0x116: {  	[sflag:s17] =	ssyncadd.s32 $0xFFFFF000  }
0x117: {  	_ =	swait.ge [sflag:s18], $0x1000  }
0x118: {  	[sflag:s18] =	ssyncset.done $0x0  }
0x119: {  	[sflag:s18] =	ssyncadd.s32 $0xFFFFF000  }
0x11a: {  	_ =	swait.ge [sflag:s19], $0x1000  }
0x11b: {  	[sflag:s19] =	ssyncset.done $0x0  }
0x11c: {  	p0 =	sne.s32 s23, $0x1;
	[sflag:s19] =	ssyncadd.s32 $0xFFFFF000  }
.Ltmp1:
0x11d: {  	_ =	swait.ge [sflag:s20], $0x1000;
	(pc) =	sbr.rel @p0 .LBB2_2-.Ltmp1, $4  }
0x11e: {  	[sflag:s20] =	ssyncset.done $0x0  }
0x11f: {  	[sflag:s20] =	ssyncadd.s32 $0xFFFFF000  }
0x120: {  	_ =	swait.ge [sflag:s21], $0x1000  }
0x121: {  	s23 =	sadd.s32 $0xFFFFFFFF, s23;
	[sflag:s21] =	ssyncset.done $0x0  }
.LBB2_3:
0x122: {  	[sflag:s21] =	ssyncadd.s32 $0xFFFFF000  }
0x123: {  	_ =	swait.ge [sflag:s22], $0x1000  }
0x124: {  	[sflag:s22] =	ssyncset.done $0x0  }
0x125: {  	[sflag:s22] =	ssyncadd.s32 $0xFFFFF000  }
0x126: {  	_ =	sfence.sel $0x180000  }
0x127: {  	[bflag:$0x0] =	sbarrier.arrive $0xFFFF  }
0x128: {  	_ =	strace $0x90000047  }
0x129: {  	s0 =	stileid.u32;
	[bflag:$0x2] =	sbarrier.arrive $0xFFFF  }
0x12a: {  	p0 =	sne.s32 s0, $0x0;
	s0 =	rddreg [dreg:$0x5]  }
0x12b: {  	s0 =	sadd.s32 @!p0 $0x100000, s0  }
0x12c: {  	[sflag:s0] =	ssyncadd.tile.s32 @!p0 $0x1;
	_ =	shalt  }
.Lfunc_end2:
_tile_overlayer_lowered:
.L_overlay_start_2:
0x12d: {  	(tag) =	ssettag $0x2  }
0x12e: {  	s0 =	rddreg [dreg:$0x0];
	s2 =	stileid.u32  }
0x12f: {  	s1 =	rddreg [dreg:$0x1];
	p0 =	sne.s32 s2, $0x0  }
0x130: {  	s3 =	rddreg [dreg:$0x2];
	[bflag:$0x3] =	sbarrier.arrive $0xFFFF;
	s2 =	simm.s32 @!p0 $0x1C1E  }
0x131: {  	[timem:s3], [sflag:s2] =	dma.local @!p0 [hbm:s0], s1  }
0x132: {  	s0 =	simm.s32 @!p0 $0x1E  }
0x133: {  	_ =	swait.ge @!p0 [sflag:s0], s1  }
0x134: {  	s1 =	ssub.s32 @!p0 $0x0, s1;
	[sflag:s0] =	ssyncset.done @!p0 $0x0  }
0x135: {  	[sflag:s0] =	ssyncadd.s32 @!p0 s1  }
0x136: {  	[bflag:$0x3] =	sbarrier.arrive $0xFFFF  }
0x137: {  	_ =	shalt  }

</sc_bundles>
